<compile_context>
chip_gen: v7x
topology: tpu7x:2x2x1
jax: 0.10.2.dev20260603
libtpu: 0.0.44.dev20260713+nightly
codegen_flags: <defaults>
</compile_context>

<pallas_src>
import functools

import jax
import jax.numpy as jnp
from jax import lax
from jax.experimental import pallas as pl
from jax.experimental.pallas import tpu as pltpu
from jax.experimental.pallas import tpu_sc as plsc

_N = 10000
_E = 320000
_D = 128
_G = 64
_H = 64
_NS = 16
_NC = 2
_GH = _G // _NC
_EPT = _E // _NS
_VPT = _EPT // 16
_CH = _GH * _N
_CHPT = _CH // _NS


def _sc_body(src_hbm, dst_hbm, batch_hbm, c_out_hbm,
             e_src, e_dst, flat_v, w_v, batch_t, inv_t,
             sem_s, sem_d, sem_b, sem_a, sem_z, cnt_s, c_s):
    cid = lax.axis_index("c")
    tid = lax.axis_index("s")
    zero16 = jnp.zeros((16,), jnp.float32)
    one16 = jnp.ones((16,), jnp.float32)

    cp_s = pltpu.async_copy(src_hbm.at[pl.ds(tid * _EPT, _EPT)], e_src, sem_s)
    cp_d = pltpu.async_copy(dst_hbm.at[pl.ds(tid * _EPT, _EPT)], e_dst, sem_d)
    cp_b = pltpu.async_copy(batch_hbm, batch_t, sem_b)

    def fill_z(i, _):
        inv_t[pl.ds(i * 16, 16)] = zero16
        return 0
    lax.fori_loop(0, _N // 16, fill_z, 0, unroll=8)

    z1 = pltpu.async_copy(inv_t, c_s.at[pl.ds(tid * _CHPT, _N)], sem_z)
    z2 = pltpu.async_copy(inv_t, c_s.at[pl.ds(tid * _CHPT + _N, _N)], sem_z)

    @pl.when(tid == 0)
    def _():
        pltpu.sync_copy(inv_t, cnt_s)

    def fill_w1(i, _):
        w_v[pl.ds(i * 16, 16)] = one16
        return 0
    lax.fori_loop(0, _VPT, fill_w1, 0, unroll=8)

    z1.wait()
    z2.wait()
    cp_d.wait()
    plsc.subcore_barrier()

    st_a = pltpu.async_copy(w_v, cnt_s.at[e_dst], sem_a, add=True)

    gbase = cid * _GH
    cp_b.wait()

    def mktab(i, _):
        sl = pl.ds(i * 16, 16)
        gl = batch_t[sl] - gbase
        ok = (gl >= 0) & (gl < _GH)
        batch_t[sl] = jnp.where(ok, gl * _N, _CH)
        return 0
    lax.fori_loop(0, _N // 16, mktab, 0, unroll=8)

    cp_s.wait()

    def flats(i, _):
        sl = pl.ds(i * 16, 16)
        flat_v[sl] = plsc.load_gather(batch_t, [e_dst[sl]]) + e_src[sl]
        return 0
    lax.fori_loop(0, _VPT, flats, 0, unroll=8)

    st_a.wait()
    plsc.subcore_barrier()

    pltpu.sync_copy(cnt_s, inv_t)

    def invert(i, _):
        v = inv_t[pl.ds(i * 16, 16)]
        inv_t[pl.ds(i * 16, 16)] = 1.0 / jnp.maximum(v, 1.0)
        return 0
    lax.fori_loop(0, _N // 16, invert, 0, unroll=8)

    def weights(i, _):
        sl = pl.ds(i * 16, 16)
        w_v[sl] = plsc.load_gather(inv_t, [e_dst[sl]])
        return 0

    nchunk = 5
    cvregs = _VPT // nchunk
    celems = _EPT // nchunk
    st_b = []
    for k in range(nchunk):
        lax.fori_loop(k * cvregs, (k + 1) * cvregs, weights, 0, unroll=5)
        st_b.append(pltpu.async_copy(
            w_v.at[pl.ds(k * celems, celems)],
            c_s.at[flat_v.at[pl.ds(k * celems, celems)]],
            sem_a, add=True))
    for st in st_b:
        st.wait()

    plsc.subcore_barrier()

    half = _CHPT // 2
    obase = cid * _CH + tid * _CHPT
    pltpu.sync_copy(c_s.at[pl.ds(tid * _CHPT, half)], w_v.at[pl.ds(0, half)])
    o1 = pltpu.async_copy(w_v.at[pl.ds(0, half)],
                          c_out_hbm.at[pl.ds(obase, half)], sem_s)
    pltpu.sync_copy(c_s.at[pl.ds(tid * _CHPT + half, half)],
                    w_v.at[pl.ds(half, half)])
    o2 = pltpu.async_copy(w_v.at[pl.ds(half, half)],
                          c_out_hbm.at[pl.ds(obase + half, half)], sem_d)
    o1.wait()
    o2.wait()


@jax.jit
def _sc_build_c(src, dst, batch):
    mesh = plsc.VectorSubcoreMesh(core_axis_name="c", subcore_axis_name="s")
    return pl.kernel(
        _sc_body,
        out_type=jax.ShapeDtypeStruct((_NC * _CH,), jnp.float32),
        mesh=mesh,
        compiler_params=pltpu.CompilerParams(needs_layout_passes=False),
        scratch_types=[
            pltpu.VMEM((_EPT,), jnp.int32),
            pltpu.VMEM((_EPT,), jnp.int32),
            pltpu.VMEM((_EPT,), jnp.int32),
            pltpu.VMEM((_EPT,), jnp.float32),
            pltpu.VMEM((_N,), jnp.int32),
            pltpu.VMEM((_N,), jnp.float32),
            pltpu.SemaphoreType.DMA,
            pltpu.SemaphoreType.DMA,
            pltpu.SemaphoreType.DMA,
            pltpu.SemaphoreType.DMA,
            pltpu.SemaphoreType.DMA,
            pltpu.VMEM_SHARED((_N,), jnp.float32),
            pltpu.VMEM_SHARED((_CH + _N,), jnp.float32),
        ],
        name="sage_edge_pool_sc",
    )(src, dst, batch)


def _tc_pre_body(x_ref, batch_ref, wl_ref, wr_ref,
                 y_ref, s2_ref, cnt_ref):
    x = x_ref[...]
    y_ref[...] = jnp.dot(x, wl_ref[...], preferred_element_type=jnp.float32,
                         precision=lax.Precision.HIGHEST)

    b = batch_ref[...].reshape(_N, 1)
    gids = lax.broadcasted_iota(jnp.int32, (1, _G), 1)
    onehot = (b == gids).astype(jnp.float32)
    pooled_x = lax.dot_general(onehot, x, (((0,), (0,)), ((), ())),
                               preferred_element_type=jnp.float32,
                               precision=lax.Precision.HIGHEST)
    s2_ref[...] = jnp.dot(pooled_x, wr_ref[...],
                          preferred_element_type=jnp.float32,
                          precision=lax.Precision.HIGHEST)
    cnt_ref[...] = jnp.sum(onehot, axis=0).reshape(_G, 1)


@jax.jit
def _tc_pre(x, batch, W_l, W_r):
    return pl.pallas_call(
        _tc_pre_body,
        out_shape=(
            jax.ShapeDtypeStruct((_N, _H), jnp.float32),
            jax.ShapeDtypeStruct((_G, _H), jnp.float32),
            jax.ShapeDtypeStruct((_G, 1), jnp.float32),
        ),
    )(x, batch, W_l, W_r)


def _tc_post_body(c_ref, y_ref, s2_ref, cnt_ref,
                  b0_ref, w1_ref, b1_ref, w2_ref, b2_ref,
                  w3_ref, b3_ref, w4_ref, b4_ref, out_ref):
    cmat = c_ref[...]
    y = y_ref[...]
    s = jnp.dot(cmat, y, preferred_element_type=jnp.float32,
                precision=lax.Precision.HIGHEST) + s2_ref[...]
    h = s / jnp.clip(cnt_ref[...], 1.0) + b0_ref[...][None, :]
    h = jnp.maximum(jnp.dot(h, w1_ref[...]) + b1_ref[...][None, :], 0.0)
    h = jnp.maximum(jnp.dot(h, w2_ref[...]) + b2_ref[...][None, :], 0.0)
    h = jnp.maximum(jnp.dot(h, w3_ref[...]) + b3_ref[...][None, :], 0.0)
    out_ref[...] = jnp.dot(h, w4_ref[...]) + b4_ref[...][None, :]


@jax.jit
def _tc_post(c_flat, y, s2, cnt, b0, W1, b1, W2, b2, W3, b3, W4, b4):
    cmat = c_flat.reshape(_G, _N)
    return pl.pallas_call(
        _tc_post_body,
        out_shape=jax.ShapeDtypeStruct((_G, 1), jnp.float32),
    )(cmat, y, s2, cnt, b0, W1, b1, W2, b2, W3, b3, W4, b4)


def kernel(x, edge_index, batch, W_l, W_r, b0, W1, b1, W2, b2, W3, b3, W4, b4):
    src = edge_index[0]
    dst = edge_index[1]
    c_flat = _sc_build_c(src, dst, batch)
    y, s2, cnt = _tc_pre(x, batch, W_l, W_r)
    return _tc_post(c_flat, y, s2, cnt, b0,
                    W1, b1, W2, b2, W3, b3, W4, b4)

# --- scband reference (transcript-rebuilt; emitter-appended) ---
"""Pipeline reference for scband-regressor-33028298506662 (READ-ONLY COPY).

The authoritative reference and input builder live on the scoring server;
editing this copy changes nothing except your own understanding.
"""

import jax, jax.numpy as jnp
import numpy as np

N = 10000   # nodes
E = 320000  # edges
D = 128     # input_size
H = 64      # input_size // 2 (SAGEConv out)
G = 64      # number of graphs in the batch


def setup_inputs(seed: int = 0) -> dict:
    key = jax.random.key(seed)
    ks = jax.random.split(key, 12)
    x = jax.random.normal(ks[0], (N, D), dtype=jnp.float32)
    edge_index = jax.random.randint(ks[1], (2, E), 0, N, dtype=jnp.int32)
    batch = jnp.sort(jax.random.randint(ks[2], (N,), 0, G, dtype=jnp.int32))
    # SAGEConv params: out = mean_aggr(x_j) @ W_l + x @ W_r + b0
    W_l = jax.random.normal(ks[3], (D, H), dtype=jnp.float32) / np.sqrt(D)
    W_r = jax.random.normal(ks[4], (D, H), dtype=jnp.float32) / np.sqrt(D)
    b0 = jnp.zeros((H,), dtype=jnp.float32)
    # MLP head: 64->32->16->8->1
    W1 = jax.random.normal(ks[5], (64, 32), dtype=jnp.float32) / np.sqrt(64)
    b1 = jnp.zeros((32,), dtype=jnp.float32)
    W2 = jax.random.normal(ks[6], (32, 16), dtype=jnp.float32) / np.sqrt(32)
    b2 = jnp.zeros((16,), dtype=jnp.float32)
    W3 = jax.random.normal(ks[7], (16, 8), dtype=jnp.float32) / np.sqrt(16)
    b3 = jnp.zeros((8,), dtype=jnp.float32)
    W4 = jax.random.normal(ks[8], (8, 1), dtype=jnp.float32) / np.sqrt(8)
    b4 = jnp.zeros((1,), dtype=jnp.float32)
    return {"x": x, "edge_index": edge_index, "batch": batch,
            "W_l": W_l, "W_r": W_r, "b0": b0,
            "W1": W1, "b1": b1, "W2": W2, "b2": b2,
            "W3": W3, "b3": b3, "W4": W4, "b4": b4}


def reference(x, edge_index, batch, W_l, W_r, b0, W1, b1, W2, b2, W3, b3, W4, b4):
    src = edge_index[0]
    dst = edge_index[1]
    # SAGEConv (mean aggregation, root weight, bias) -- eval mode
    msg = jnp.take(x, src, axis=0)
    agg = jax.ops.segment_sum(msg, dst, num_segments=N)
    cnt = jax.ops.segment_sum(jnp.ones((E,), dtype=x.dtype), dst, num_segments=N)
    mean_neigh = agg / jnp.clip(cnt, 1.0)[:, None]
    x1 = mean_neigh @ W_l + x @ W_r + b0
    # global_mean_pool over graph ids
    s = jax.ops.segment_sum(x1, batch, num_segments=G)
    c = jax.ops.segment_sum(jnp.ones((N,), dtype=x1.dtype), batch, num_segments=G)
    h = s / jnp.clip(c, 1.0)[:, None]
    # MLP head (dropout is identity in eval mode)
    h = jax.nn.relu(h @ W1 + b1)
    h = jax.nn.relu(h @ W2 + b2)
    h = jax.nn.relu(h @ W3 + b3)
    h = h @ W4 + b4
    return h

if __name__ == "__main__":
    import jax
    _d = setup_inputs()
    print(jax.jit(kernel)(*tuple(_d.values())))

</pallas_src>

<mosaic_0001>
#map = affine_map<(d0, d1) -> (0)>
module attributes {stable_mosaic.version = 14 : i64} {
  func.func @sage_edge_pool_sc(%arg0: i32, %arg1: i32, %arg2: memref<320000xi32, #tpu.memory_space<hbm>>, %arg3: memref<320000xi32, #tpu.memory_space<hbm>>, %arg4: memref<10000xi32, #tpu.memory_space<hbm>>, %arg5: memref<640000xf32, #tpu.memory_space<hbm>>, %arg6: memref<20000xi32, #tpu.memory_space<vmem>>, %arg7: memref<20000xi32, #tpu.memory_space<vmem>>, %arg8: memref<20000xi32, #tpu.memory_space<vmem>>, %arg9: memref<20000xf32, #tpu.memory_space<vmem>>, %arg10: memref<10000xi32, #tpu.memory_space<vmem>>, %arg11: memref<10000xf32, #tpu.memory_space<vmem>>, %arg12: memref<!tpu.dma_semaphore, #tpu.memory_space<semaphore_mem>>, %arg13: memref<!tpu.dma_semaphore, #tpu.memory_space<semaphore_mem>>, %arg14: memref<!tpu.dma_semaphore, #tpu.memory_space<semaphore_mem>>, %arg15: memref<!tpu.dma_semaphore, #tpu.memory_space<semaphore_mem>>, %arg16: memref<!tpu.dma_semaphore, #tpu.memory_space<semaphore_mem>>, %arg17: memref<10000xf32, #tpu.memory_space<vmem_shared>>, %arg18: memref<330000xf32, #tpu.memory_space<vmem_shared>>) attributes {dimension_semantics = [#tpu.dimension_semantics<core_parallel>, #tpu.dimension_semantics<subcore_parallel>], iteration_bounds = array<i64: 2, 16>, scalar_prefetch = 0 : i64, scratch_operands = 13 : i64, tpu.core_type = #tpu.core_type<sc_vector_subcore>, window_params = [{transform_indices = #map}, {transform_indices = #map}, {transform_indices = #map}, {transform_indices = #map}]} {
    %broadcast_in_dim3A = arith.constant 0.000000e+00 : f32
    %broadcast_in_dim3A_0 = vector.broadcast %broadcast_in_dim3A : f32 to vector<16xf32>
    %broadcast_in_dim3A_1 = arith.constant 1.000000e+00 : f32
    %broadcast_in_dim3A_2 = vector.broadcast %broadcast_in_dim3A_1 : f32 to vector<16xf32>
    %mul3A = arith.constant 20000 : i32
    %mul3A_3 = arith.muli %arg1, %mul3A : i32
    %dma_start3A = tpu.memref_slice %arg2[%mul3A_3] : memref<320000xi32, #tpu.memory_space<hbm>> -> memref<20000xi32, #tpu.memory_space<hbm>>
    %dma_start3A_4 = tpu.memref_slice %arg2[%mul3A_3] : memref<320000xi32, #tpu.memory_space<hbm>> -> memref<20000xi32, #tpu.memory_space<hbm>>
    tpu.enqueue_dma source(%dma_start3A_4 : memref<20000xi32, #tpu.memory_space<hbm>>) target(%arg6 : memref<20000xi32, #tpu.memory_space<vmem>>) target_semaphore(%arg12 : memref<!tpu.dma_semaphore, #tpu.memory_space<semaphore_mem>>)
    %mul3A_5 = arith.constant 20000 : i32
    %mul3A_6 = arith.muli %arg1, %mul3A_5 : i32
    %dma_start3A_7 = tpu.memref_slice %arg3[%mul3A_6] : memref<320000xi32, #tpu.memory_space<hbm>> -> memref<20000xi32, #tpu.memory_space<hbm>>
    %dma_start3A_8 = tpu.memref_slice %arg3[%mul3A_6] : memref<320000xi32, #tpu.memory_space<hbm>> -> memref<20000xi32, #tpu.memory_space<hbm>>
    tpu.enqueue_dma source(%dma_start3A_8 : memref<20000xi32, #tpu.memory_space<hbm>>) target(%arg7 : memref<20000xi32, #tpu.memory_space<vmem>>) target_semaphore(%arg13 : memref<!tpu.dma_semaphore, #tpu.memory_space<semaphore_mem>>)
    tpu.enqueue_dma source(%arg4 : memref<10000xi32, #tpu.memory_space<hbm>>) target(%arg10 : memref<10000xi32, #tpu.memory_space<vmem>>) target_semaphore(%arg14 : memref<!tpu.dma_semaphore, #tpu.memory_space<semaphore_mem>>)
    %scan3A = arith.constant 0 : i32
    %scan3A_9 = arith.constant 0 : i32
    %scan3A_10 = arith.constant 624 : i32
    %scan3A_11 = arith.addi %scan3A_9, %scan3A_10 : i32
    %scan3A_12 = arith.constant 8 : i32
    %scan3A_13 = scf.for %scan3A_278 = %scan3A_9 to %scan3A_11 step %scan3A_12 iter_args(%scan3A_279 = %scan3A) -> (i32)  : i32 {
      %mul3A_280 = arith.constant 16 : i32
      %mul3A_281 = arith.muli %scan3A_278, %mul3A_280 : i32
      %swap3A_282 = arith.index_cast %mul3A_281 : i32 to index
      %swap3A_283 = tpu.vector_load %arg11[%swap3A_282] {strides = array<i32>} : memref<10000xf32, #tpu.memory_space<vmem>>, vector<16xf32>,
      tpu.vector_store %arg11[%swap3A_282], %broadcast_in_dim3A_0 {strides = array<i32>} : memref<10000xf32, #tpu.memory_space<vmem>>, vector<16xf32>,
      %scan3A_284 = arith.constant 0 : i32
      %scan3A_285 = arith.constant 1 : i32
      %scan3A_286 = arith.addi %scan3A_278, %scan3A_285 : i32
      %mul3A_287 = arith.constant 16 : i32
      %mul3A_288 = arith.muli %scan3A_286, %mul3A_287 : i32
      %swap3A_289 = arith.index_cast %mul3A_288 : i32 to index
      %swap3A_290 = tpu.vector_load %arg11[%swap3A_289] {strides = array<i32>} : memref<10000xf32, #tpu.memory_space<vmem>>, vector<16xf32>,
      tpu.vector_store %arg11[%swap3A_289], %broadcast_in_dim3A_0 {strides = array<i32>} : memref<10000xf32, #tpu.memory_space<vmem>>, vector<16xf32>,
      %scan3A_291 = arith.constant 0 : i32
      %scan3A_292 = arith.constant 2 : i32
      %scan3A_293 = arith.addi %scan3A_278, %scan3A_292 : i32
      %mul3A_294 = arith.constant 16 : i32
      %mul3A_295 = arith.muli %scan3A_293, %mul3A_294 : i32
      %swap3A_296 = arith.index_cast %mul3A_295 : i32 to index
      %swap3A_297 = tpu.vector_load %arg11[%swap3A_296] {strides = array<i32>} : memref<10000xf32, #tpu.memory_space<vmem>>, vector<16xf32>,
      tpu.vector_store %arg11[%swap3A_296], %broadcast_in_dim3A_0 {strides = array<i32>} : memref<10000xf32, #tpu.memory_space<vmem>>, vector<16xf32>,
      %scan3A_298 = arith.constant 0 : i32
      %scan3A_299 = arith.constant 3 : i32
      %scan3A_300 = arith.addi %scan3A_278, %scan3A_299 : i32
      %mul3A_301 = arith.constant 16 : i32
      %mul3A_302 = arith.muli %scan3A_300, %mul3A_301 : i32
      %swap3A_303 = arith.index_cast %mul3A_302 : i32 to index
      %swap3A_304 = tpu.vector_load %arg11[%swap3A_303] {strides = array<i32>} : memref<10000xf32, #tpu.memory_space<vmem>>, vector<16xf32>,
      tpu.vector_store %arg11[%swap3A_303], %broadcast_in_dim3A_0 {strides = array<i32>} : memref<10000xf32, #tpu.memory_space<vmem>>, vector<16xf32>,
      %scan3A_305 = arith.constant 0 : i32
      %scan3A_306 = arith.constant 4 : i32
      %scan3A_307 = arith.addi %scan3A_278, %scan3A_306 : i32
      %mul3A_308 = arith.constant 16 : i32
      %mul3A_309 = arith.muli %scan3A_307, %mul3A_308 : i32
      %swap3A_310 = arith.index_cast %mul3A_309 : i32 to index
      %swap3A_311 = tpu.vector_load %arg11[%swap3A_310] {strides = array<i32>} : memref<10000xf32, #tpu.memory_space<vmem>>, vector<16xf32>,
      tpu.vector_store %arg11[%swap3A_310], %broadcast_in_dim3A_0 {strides = array<i32>} : memref<10000xf32, #tpu.memory_space<vmem>>, vector<16xf32>,
      %scan3A_312 = arith.constant 0 : i32
      %scan3A_313 = arith.constant 5 : i32
      %scan3A_314 = arith.addi %scan3A_278, %scan3A_313 : i32
      %mul3A_315 = arith.constant 16 : i32
      %mul3A_316 = arith.muli %scan3A_314, %mul3A_315 : i32
      %swap3A_317 = arith.index_cast %mul3A_316 : i32 to index
      %swap3A_318 = tpu.vector_load %arg11[%swap3A_317] {strides = array<i32>} : memref<10000xf32, #tpu.memory_space<vmem>>, vector<16xf32>,
      tpu.vector_store %arg11[%swap3A_317], %broadcast_in_dim3A_0 {strides = array<i32>} : memref<10000xf32, #tpu.memory_space<vmem>>, vector<16xf32>,
      %scan3A_319 = arith.constant 0 : i32
      %scan3A_320 = arith.constant 6 : i32
      %scan3A_321 = arith.addi %scan3A_278, %scan3A_320 : i32
      %mul3A_322 = arith.constant 16 : i32
      %mul3A_323 = arith.muli %scan3A_321, %mul3A_322 : i32
      %swap3A_324 = arith.index_cast %mul3A_323 : i32 to index
      %swap3A_325 = tpu.vector_load %arg11[%swap3A_324] {strides = array<i32>} : memref<10000xf32, #tpu.memory_space<vmem>>, vector<16xf32>,
      tpu.vector_store %arg11[%swap3A_324], %broadcast_in_dim3A_0 {strides = array<i32>} : memref<10000xf32, #tpu.memory_space<vmem>>, vector<16xf32>,
      %scan3A_326 = arith.constant 0 : i32
      %scan3A_327 = arith.constant 7 : i32
      %scan3A_328 = arith.addi %scan3A_278, %scan3A_327 : i32
      %mul3A_329 = arith.constant 16 : i32
      %mul3A_330 = arith.muli %scan3A_328, %mul3A_329 : i32
      %swap3A_331 = arith.index_cast %mul3A_330 : i32 to index
      %swap3A_332 = tpu.vector_load %arg11[%swap3A_331] {strides = array<i32>} : memref<10000xf32, #tpu.memory_space<vmem>>, vector<16xf32>,
      tpu.vector_store %arg11[%swap3A_331], %broadcast_in_dim3A_0 {strides = array<i32>} : memref<10000xf32, #tpu.memory_space<vmem>>, vector<16xf32>,
      %scan3A_333 = arith.constant 0 : i32
      scf.yield %scan3A_333 : i32
    }
    %scan3A_14 = arith.constant 624 : i32
    %scan3A_15 = arith.addi %scan3A_9, %scan3A_14 : i32
    %mul3A_16 = arith.constant 16 : i32
    %mul3A_17 = arith.muli %scan3A_15, %mul3A_16 : i32
    %swap3A = arith.index_cast %mul3A_17 : i32 to index
    %swap3A_18 = tpu.vector_load %arg11[%swap3A] {strides = array<i32>} : memref<10000xf32, #tpu.memory_space<vmem>>, vector<16xf32>,
    tpu.vector_store %arg11[%swap3A], %broadcast_in_dim3A_0 {strides = array<i32>} : memref<10000xf32, #tpu.memory_space<vmem>>, vector<16xf32>,
    %scan3A_19 = arith.constant 0 : i32
    %scan3A_20 = arith.constant 625 : i32
    %mul3A_21 = arith.constant 20000 : i32
    %mul3A_22 = arith.muli %arg1, %mul3A_21 : i32
    %dma_start3A_23 = tpu.memref_slice %arg18[%mul3A_22] : memref<330000xf32, #tpu.memory_space<vmem_shared>> -> memref<10000xf32, #tpu.memory_space<vmem_shared>>
    %dma_start3A_24 = tpu.memref_slice %arg18[%mul3A_22] : memref<330000xf32, #tpu.memory_space<vmem_shared>> -> memref<10000xf32, #tpu.memory_space<vmem_shared>>
    tpu.enqueue_dma source(%arg11 : memref<10000xf32, #tpu.memory_space<vmem>>) target(%dma_start3A_24 : memref<10000xf32, #tpu.memory_space<vmem_shared>>) target_semaphore(%arg16 : memref<!tpu.dma_semaphore, #tpu.memory_space<semaphore_mem>>)
    %mul3A_25 = arith.constant 20000 : i32
    %mul3A_26 = arith.muli %arg1, %mul3A_25 : i32
    %add3A = arith.constant 10000 : i32
    %add3A_27 = arith.addi %mul3A_26, %add3A : i32
    %dma_start3A_28 = tpu.memref_slice %arg18[%add3A_27] : memref<330000xf32, #tpu.memory_space<vmem_shared>> -> memref<10000xf32, #tpu.memory_space<vmem_shared>>
    %dma_start3A_29 = tpu.memref_slice %arg18[%add3A_27] : memref<330000xf32, #tpu.memory_space<vmem_shared>> -> memref<10000xf32, #tpu.memory_space<vmem_shared>>
    tpu.enqueue_dma source(%arg11 : memref<10000xf32, #tpu.memory_space<vmem>>) target(%dma_start3A_29 : memref<10000xf32, #tpu.memory_space<vmem_shared>>) target_semaphore(%arg16 : memref<!tpu.dma_semaphore, #tpu.memory_space<semaphore_mem>>)
    %eq3A = arith.constant 0 : i32
    %eq3A_30 = arith.cmpi eq, %arg1, %eq3A : i32
    %convert_element_type3A = arith.extui %eq3A_30 : i1 to i32
    %cond3A = arith.constant 0 : i32
    %cond3A_31 = arith.cmpi ne, %convert_element_type3A, %cond3A : i32
    scf.if %cond3A_31 {
      "tpu.region"() ({
        %run_scoped3A = tpu.sem_alloc : memref<!tpu.dma_semaphore, #tpu.memory_space<semaphore_mem>>
        tpu.enqueue_dma source(%arg11 : memref<10000xf32, #tpu.memory_space<vmem>>) target(%arg17 : memref<10000xf32, #tpu.memory_space<vmem_shared>>) target_semaphore(%run_scoped3A : memref<!tpu.dma_semaphore, #tpu.memory_space<semaphore_mem>>)
        tpu.wait_dma2 semaphore(%run_scoped3A : memref<!tpu.dma_semaphore, #tpu.memory_space<semaphore_mem>>) src(%arg11 : memref<10000xf32, #tpu.memory_space<vmem>>) dst(%arg17 : memref<10000xf32, #tpu.memory_space<vmem_shared>>)
        tpu.yield
      }) : () -> ()
    } else {
    }
    %scan3A_32 = arith.constant 0 : i32
    %scan3A_33 = arith.constant 0 : i32
    %scan3A_34 = arith.constant 1248 : i32
    %scan3A_35 = arith.addi %scan3A_33, %scan3A_34 : i32
    %scan3A_36 = arith.constant 8 : i32
    %scan3A_37 = scf.for %scan3A_278 = %scan3A_33 to %scan3A_35 step %scan3A_36 iter_args(%scan3A_279 = %scan3A_32) -> (i32)  : i32 {
      %mul3A_280 = arith.constant 16 : i32
      %mul3A_281 = arith.muli %scan3A_278, %mul3A_280 : i32
      %swap3A_282 = arith.index_cast %mul3A_281 : i32 to index
      %swap3A_283 = tpu.vector_load %arg9[%swap3A_282] {strides = array<i32>} : memref<20000xf32, #tpu.memory_space<vmem>>, vector<16xf32>,
      tpu.vector_store %arg9[%swap3A_282], %broadcast_in_dim3A_2 {strides = array<i32>} : memref<20000xf32, #tpu.memory_space<vmem>>, vector<16xf32>,
      %scan3A_284 = arith.constant 0 : i32
      %scan3A_285 = arith.constant 1 : i32
      %scan3A_286 = arith.addi %scan3A_278, %scan3A_285 : i32
      %mul3A_287 = arith.constant 16 : i32
      %mul3A_288 = arith.muli %scan3A_286, %mul3A_287 : i32
      %swap3A_289 = arith.index_cast %mul3A_288 : i32 to index
      %swap3A_290 = tpu.vector_load %arg9[%swap3A_289] {strides = array<i32>} : memref<20000xf32, #tpu.memory_space<vmem>>, vector<16xf32>,
      tpu.vector_store %arg9[%swap3A_289], %broadcast_in_dim3A_2 {strides = array<i32>} : memref<20000xf32, #tpu.memory_space<vmem>>, vector<16xf32>,
      %scan3A_291 = arith.constant 0 : i32
      %scan3A_292 = arith.constant 2 : i32
      %scan3A_293 = arith.addi %scan3A_278, %scan3A_292 : i32
      %mul3A_294 = arith.constant 16 : i32
      %mul3A_295 = arith.muli %scan3A_293, %mul3A_294 : i32
      %swap3A_296 = arith.index_cast %mul3A_295 : i32 to index
      %swap3A_297 = tpu.vector_load %arg9[%swap3A_296] {strides = array<i32>} : memref<20000xf32, #tpu.memory_space<vmem>>, vector<16xf32>,
      tpu.vector_store %arg9[%swap3A_296], %broadcast_in_dim3A_2 {strides = array<i32>} : memref<20000xf32, #tpu.memory_space<vmem>>, vector<16xf32>,
      %scan3A_298 = arith.constant 0 : i32
      %scan3A_299 = arith.constant 3 : i32
      %scan3A_300 = arith.addi %scan3A_278, %scan3A_299 : i32
      %mul3A_301 = arith.constant 16 : i32
      %mul3A_302 = arith.muli %scan3A_300, %mul3A_301 : i32
      %swap3A_303 = arith.index_cast %mul3A_302 : i32 to index
      %swap3A_304 = tpu.vector_load %arg9[%swap3A_303] {strides = array<i32>} : memref<20000xf32, #tpu.memory_space<vmem>>, vector<16xf32>,
      tpu.vector_store %arg9[%swap3A_303], %broadcast_in_dim3A_2 {strides = array<i32>} : memref<20000xf32, #tpu.memory_space<vmem>>, vector<16xf32>,
      %scan3A_305 = arith.constant 0 : i32
      %scan3A_306 = arith.constant 4 : i32
      %scan3A_307 = arith.addi %scan3A_278, %scan3A_306 : i32
      %mul3A_308 = arith.constant 16 : i32
      %mul3A_309 = arith.muli %scan3A_307, %mul3A_308 : i32
      %swap3A_310 = arith.index_cast %mul3A_309 : i32 to index
      %swap3A_311 = tpu.vector_load %arg9[%swap3A_310] {strides = array<i32>} : memref<20000xf32, #tpu.memory_space<vmem>>, vector<16xf32>,
      tpu.vector_store %arg9[%swap3A_310], %broadcast_in_dim3A_2 {strides = array<i32>} : memref<20000xf32, #tpu.memory_space<vmem>>, vector<16xf32>,
      %scan3A_312 = arith.constant 0 : i32
      %scan3A_313 = arith.constant 5 : i32
      %scan3A_314 = arith.addi %scan3A_278, %scan3A_313 : i32
      %mul3A_315 = arith.constant 16 : i32
      %mul3A_316 = arith.muli %scan3A_314, %mul3A_315 : i32
      %swap3A_317 = arith.index_cast %mul3A_316 : i32 to index
      %swap3A_318 = tpu.vector_load %arg9[%swap3A_317] {strides = array<i32>} : memref<20000xf32, #tpu.memory_space<vmem>>, vector<16xf32>,
      tpu.vector_store %arg9[%swap3A_317], %broadcast_in_dim3A_2 {strides = array<i32>} : memref<20000xf32, #tpu.memory_space<vmem>>, vector<16xf32>,
      %scan3A_319 = arith.constant 0 : i32
      %scan3A_320 = arith.constant 6 : i32
      %scan3A_321 = arith.addi %scan3A_278, %scan3A_320 : i32
      %mul3A_322 = arith.constant 16 : i32
      %mul3A_323 = arith.muli %scan3A_321, %mul3A_322 : i32
      %swap3A_324 = arith.index_cast %mul3A_323 : i32 to index
      %swap3A_325 = tpu.vector_load %arg9[%swap3A_324] {strides = array<i32>} : memref<20000xf32, #tpu.memory_space<vmem>>, vector<16xf32>,
      tpu.vector_store %arg9[%swap3A_324], %broadcast_in_dim3A_2 {strides = array<i32>} : memref<20000xf32, #tpu.memory_space<vmem>>, vector<16xf32>,
      %scan3A_326 = arith.constant 0 : i32
      %scan3A_327 = arith.constant 7 : i32
      %scan3A_328 = arith.addi %scan3A_278, %scan3A_327 : i32
      %mul3A_329 = arith.constant 16 : i32
      %mul3A_330 = arith.muli %scan3A_328, %mul3A_329 : i32
      %swap3A_331 = arith.index_cast %mul3A_330 : i32 to index
      %swap3A_332 = tpu.vector_load %arg9[%swap3A_331] {strides = array<i32>} : memref<20000xf32, #tpu.memory_space<vmem>>, vector<16xf32>,
      tpu.vector_store %arg9[%swap3A_331], %broadcast_in_dim3A_2 {strides = array<i32>} : memref<20000xf32, #tpu.memory_space<vmem>>, vector<16xf32>,
      %scan3A_333 = arith.constant 0 : i32
      scf.yield %scan3A_333 : i32
    }
    %scan3A_38 = arith.constant 1248 : i32
    %scan3A_39 = arith.addi %scan3A_33, %scan3A_38 : i32
    %mul3A_40 = arith.constant 16 : i32
    %mul3A_41 = arith.muli %scan3A_39, %mul3A_40 : i32
    %swap3A_42 = arith.index_cast %mul3A_41 : i32 to index
    %swap3A_43 = tpu.vector_load %arg9[%swap3A_42] {strides = array<i32>} : memref<20000xf32, #tpu.memory_space<vmem>>, vector<16xf32>,
    tpu.vector_store %arg9[%swap3A_42], %broadcast_in_dim3A_2 {strides = array<i32>} : memref<20000xf32, #tpu.memory_space<vmem>>, vector<16xf32>,
    %scan3A_44 = arith.constant 0 : i32
    %scan3A_45 = arith.constant 1249 : i32
    %scan3A_46 = arith.addi %scan3A_33, %scan3A_45 : i32
    %mul3A_47 = arith.constant 16 : i32
    %mul3A_48 = arith.muli %scan3A_46, %mul3A_47 : i32
    %swap3A_49 = arith.index_cast %mul3A_48 : i32 to index
    %swap3A_50 = tpu.vector_load %arg9[%swap3A_49] {strides = array<i32>} : memref<20000xf32, #tpu.memory_space<vmem>>, vector<16xf32>,
    tpu.vector_store %arg9[%swap3A_49], %broadcast_in_dim3A_2 {strides = array<i32>} : memref<20000xf32, #tpu.memory_space<vmem>>, vector<16xf32>,
    %scan3A_51 = arith.constant 0 : i32
    %scan3A_52 = arith.constant 1250 : i32
    %dma_wait3A = tpu.memref_slice %arg18[%mul3A_22] : memref<330000xf32, #tpu.memory_space<vmem_shared>> -> memref<10000xf32, #tpu.memory_space<vmem_shared>>
    %dma_wait3A_53 = tpu.memref_slice %arg18[%mul3A_22] : memref<330000xf32, #tpu.memory_space<vmem_shared>> -> memref<10000xf32, #tpu.memory_space<vmem_shared>>
    tpu.wait_dma2 semaphore(%arg16 : memref<!tpu.dma_semaphore, #tpu.memory_space<semaphore_mem>>) src(%arg11 : memref<10000xf32, #tpu.memory_space<vmem>>) dst(%dma_wait3A_53 : memref<10000xf32, #tpu.memory_space<vmem_shared>>)
    %dma_wait3A_54 = tpu.memref_slice %arg18[%add3A_27] : memref<330000xf32, #tpu.memory_space<vmem_shared>> -> memref<10000xf32, #tpu.memory_space<vmem_shared>>
    %dma_wait3A_55 = tpu.memref_slice %arg18[%add3A_27] : memref<330000xf32, #tpu.memory_space<vmem_shared>> -> memref<10000xf32, #tpu.memory_space<vmem_shared>>
    tpu.wait_dma2 semaphore(%arg16 : memref<!tpu.dma_semaphore, #tpu.memory_space<semaphore_mem>>) src(%arg11 : memref<10000xf32, #tpu.memory_space<vmem>>) dst(%dma_wait3A_55 : memref<10000xf32, #tpu.memory_space<vmem_shared>>)
    %dma_wait3A_56 = tpu.memref_slice %arg3[%mul3A_6] : memref<320000xi32, #tpu.memory_space<hbm>> -> memref<20000xi32, #tpu.memory_space<hbm>>
    %dma_wait3A_57 = tpu.memref_slice %arg3[%mul3A_6] : memref<320000xi32, #tpu.memory_space<hbm>> -> memref<20000xi32, #tpu.memory_space<hbm>>
    tpu.wait_dma2 semaphore(%arg13 : memref<!tpu.dma_semaphore, #tpu.memory_space<semaphore_mem>>) src(%dma_wait3A_57 : memref<20000xi32, #tpu.memory_space<hbm>>) dst(%arg7 : memref<20000xi32, #tpu.memory_space<vmem>>)
    %barrier3A = arith.constant 0 : index
    tpu.barrier barrier_id(%barrier3A)
    %dma_start3A_58 = arith.constant 0 : i32
    %dma_start3A_59 = tpu.memref_slice %arg17[%dma_start3A_58] : memref<10000xf32, #tpu.memory_space<vmem_shared>> -> memref<10000xf32, #tpu.memory_space<vmem_shared>>
    tpu.enqueue_indirect_dma source(%arg9 : memref<20000xf32, #tpu.memory_space<vmem>>) target(%dma_start3A_59 : memref<10000xf32, #tpu.memory_space<vmem_shared>>) offsets(%arg7 : memref<20000xi32, #tpu.memory_space<vmem>>) semaphore(%arg15 : memref<!tpu.dma_semaphore, #tpu.memory_space<semaphore_mem>>) {add = true}
    %mul3A_60 = arith.constant 32 : i32
    %mul3A_61 = arith.muli %arg0, %mul3A_60 : i32
    tpu.wait_dma2 semaphore(%arg14 : memref<!tpu.dma_semaphore, #tpu.memory_space<semaphore_mem>>) src(%arg4 : memref<10000xi32, #tpu.memory_space<hbm>>) dst(%arg10 : memref<10000xi32, #tpu.memory_space<vmem>>)
    %scan3A_62 = arith.constant 0 : i32
    %scan3A_63 = arith.constant 0 : i32
    %scan3A_64 = arith.constant 624 : i32
    %scan3A_65 = arith.addi %scan3A_63, %scan3A_64 : i32
    %scan3A_66 = arith.constant 8 : i32
    %scan3A_67 = scf.for %scan3A_278 = %scan3A_63 to %scan3A_65 step %scan3A_66 iter_args(%scan3A_279 = %scan3A_62) -> (i32)  : i32 {
      %mul3A_280 = arith.constant 16 : i32
      %mul3A_281 = arith.muli %scan3A_278, %mul3A_280 : i32
      %get3A_282 = arith.index_cast %mul3A_281 : i32 to index
      %get3A_283 = tpu.vector_load %arg10[%get3A_282] {strides = array<i32>} : memref<10000xi32, #tpu.memory_space<vmem>>, vector<16xi32>,
      %sub3A_284 = vector.broadcast %mul3A_61 : i32 to vector<16xi32>
      %sub3A_285 = arith.subi %get3A_283, %sub3A_284 : vector<16xi32>
      %ge3A_286 = arith.constant 0 : i32
      %ge3A_287 = vector.broadcast %ge3A_286 : i32 to vector<16xi32>
      %ge3A_288 = arith.cmpi sge, %sub3A_285, %ge3A_287 : vector<16xi32>
      %lt3A_289 = arith.constant 32 : i32
      %lt3A_290 = vector.broadcast %lt3A_289 : i32 to vector<16xi32>
      %lt3A_291 = arith.cmpi slt, %sub3A_285, %lt3A_290 : vector<16xi32>
      %and3A_292 = arith.andi %ge3A_288, %lt3A_291 : vector<16xi1>
      %mul3A_293 = arith.constant 10000 : i32
      %mul3A_294 = vector.broadcast %mul3A_293 : i32 to vector<16xi32>
      %mul3A_295 = arith.muli %sub3A_285, %mul3A_294 : vector<16xi32>
      %jit3A_296 = arith.constant 320000 : i32
      %broadcast_in_dim3A_297 = vector.broadcast %jit3A_296 : i32 to vector<16xi32>
      %select_n3A_298 = arith.select %and3A_292, %mul3A_295, %broadcast_in_dim3A_297 : vector<16xi1>, vector<16xi32>
      %swap3A_299 = arith.index_cast %mul3A_281 : i32 to index
      %swap3A_300 = tpu.vector_load %arg10[%swap3A_299] {strides = array<i32>} : memref<10000xi32, #tpu.memory_space<vmem>>, vector<16xi32>,
      tpu.vector_store %arg10[%swap3A_299], %select_n3A_298 {strides = array<i32>} : memref<10000xi32, #tpu.memory_space<vmem>>, vector<16xi32>,
      %scan3A_301 = arith.constant 0 : i32
      %scan3A_302 = arith.constant 1 : i32
      %scan3A_303 = arith.addi %scan3A_278, %scan3A_302 : i32
      %mul3A_304 = arith.constant 16 : i32
      %mul3A_305 = arith.muli %scan3A_303, %mul3A_304 : i32
      %get3A_306 = arith.index_cast %mul3A_305 : i32 to index
      %get3A_307 = tpu.vector_load %arg10[%get3A_306] {strides = array<i32>} : memref<10000xi32, #tpu.memory_space<vmem>>, vector<16xi32>,
      %sub3A_308 = vector.broadcast %mul3A_61 : i32 to vector<16xi32>
      %sub3A_309 = arith.subi %get3A_307, %sub3A_308 : vector<16xi32>
      %ge3A_310 = arith.constant 0 : i32
      %ge3A_311 = vector.broadcast %ge3A_310 : i32 to vector<16xi32>
      %ge3A_312 = arith.cmpi sge, %sub3A_309, %ge3A_311 : vector<16xi32>
      %lt3A_313 = arith.constant 32 : i32
      %lt3A_314 = vector.broadcast %lt3A_313 : i32 to vector<16xi32>
      %lt3A_315 = arith.cmpi slt, %sub3A_309, %lt3A_314 : vector<16xi32>
      %and3A_316 = arith.andi %ge3A_312, %lt3A_315 : vector<16xi1>
      %mul3A_317 = arith.constant 10000 : i32
      %mul3A_318 = vector.broadcast %mul3A_317 : i32 to vector<16xi32>
      %mul3A_319 = arith.muli %sub3A_309, %mul3A_318 : vector<16xi32>
      %jit3A_320 = arith.constant 320000 : i32
      %broadcast_in_dim3A_321 = vector.broadcast %jit3A_320 : i32 to vector<16xi32>
      %select_n3A_322 = arith.select %and3A_316, %mul3A_319, %broadcast_in_dim3A_321 : vector<16xi1>, vector<16xi32>
      %swap3A_323 = arith.index_cast %mul3A_305 : i32 to index
      %swap3A_324 = tpu.vector_load %arg10[%swap3A_323] {strides = array<i32>} : memref<10000xi32, #tpu.memory_space<vmem>>, vector<16xi32>,
      tpu.vector_store %arg10[%swap3A_323], %select_n3A_322 {strides = array<i32>} : memref<10000xi32, #tpu.memory_space<vmem>>, vector<16xi32>,
      %scan3A_325 = arith.constant 0 : i32
      %scan3A_326 = arith.constant 2 : i32
      %scan3A_327 = arith.addi %scan3A_278, %scan3A_326 : i32
      %mul3A_328 = arith.constant 16 : i32
      %mul3A_329 = arith.muli %scan3A_327, %mul3A_328 : i32
      %get3A_330 = arith.index_cast %mul3A_329 : i32 to index
      %get3A_331 = tpu.vector_load %arg10[%get3A_330] {strides = array<i32>} : memref<10000xi32, #tpu.memory_space<vmem>>, vector<16xi32>,
      %sub3A_332 = vector.broadcast %mul3A_61 : i32 to vector<16xi32>
      %sub3A_333 = arith.subi %get3A_331, %sub3A_332 : vector<16xi32>
      %ge3A_334 = arith.constant 0 : i32
      %ge3A_335 = vector.broadcast %ge3A_334 : i32 to vector<16xi32>
      %ge3A_336 = arith.cmpi sge, %sub3A_333, %ge3A_335 : vector<16xi32>
      %lt3A_337 = arith.constant 32 : i32
      %lt3A_338 = vector.broadcast %lt3A_337 : i32 to vector<16xi32>
      %lt3A_339 = arith.cmpi slt, %sub3A_333, %lt3A_338 : vector<16xi32>
      %and3A_340 = arith.andi %ge3A_336, %lt3A_339 : vector<16xi1>
      %mul3A_341 = arith.constant 10000 : i32
      %mul3A_342 = vector.broadcast %mul3A_341 : i32 to vector<16xi32>
      %mul3A_343 = arith.muli %sub3A_333, %mul3A_342 : vector<16xi32>
      %jit3A_344 = arith.constant 320000 : i32
      %broadcast_in_dim3A_345 = vector.broadcast %jit3A_344 : i32 to vector<16xi32>
      %select_n3A_346 = arith.select %and3A_340, %mul3A_343, %broadcast_in_dim3A_345 : vector<16xi1>, vector<16xi32>
      %swap3A_347 = arith.index_cast %mul3A_329 : i32 to index
      %swap3A_348 = tpu.vector_load %arg10[%swap3A_347] {strides = array<i32>} : memref<10000xi32, #tpu.memory_space<vmem>>, vector<16xi32>,
      tpu.vector_store %arg10[%swap3A_347], %select_n3A_346 {strides = array<i32>} : memref<10000xi32, #tpu.memory_space<vmem>>, vector<16xi32>,
      %scan3A_349 = arith.constant 0 : i32
      %scan3A_350 = arith.constant 3 : i32
      %scan3A_351 = arith.addi %scan3A_278, %scan3A_350 : i32
      %mul3A_352 = arith.constant 16 : i32
      %mul3A_353 = arith.muli %scan3A_351, %mul3A_352 : i32
      %get3A_354 = arith.index_cast %mul3A_353 : i32 to index
      %get3A_355 = tpu.vector_load %arg10[%get3A_354] {strides = array<i32>} : memref<10000xi32, #tpu.memory_space<vmem>>, vector<16xi32>,
      %sub3A_356 = vector.broadcast %mul3A_61 : i32 to vector<16xi32>
      %sub3A_357 = arith.subi %get3A_355, %sub3A_356 : vector<16xi32>
      %ge3A_358 = arith.constant 0 : i32
      %ge3A_359 = vector.broadcast %ge3A_358 : i32 to vector<16xi32>
      %ge3A_360 = arith.cmpi sge, %sub3A_357, %ge3A_359 : vector<16xi32>
      %lt3A_361 = arith.constant 32 : i32
      %lt3A_362 = vector.broadcast %lt3A_361 : i32 to vector<16xi32>
      %lt3A_363 = arith.cmpi slt, %sub3A_357, %lt3A_362 : vector<16xi32>
      %and3A_364 = arith.andi %ge3A_360, %lt3A_363 : vector<16xi1>
      %mul3A_365 = arith.constant 10000 : i32
      %mul3A_366 = vector.broadcast %mul3A_365 : i32 to vector<16xi32>
      %mul3A_367 = arith.muli %sub3A_357, %mul3A_366 : vector<16xi32>
      %jit3A_368 = arith.constant 320000 : i32
      %broadcast_in_dim3A_369 = vector.broadcast %jit3A_368 : i32 to vector<16xi32>
      %select_n3A_370 = arith.select %and3A_364, %mul3A_367, %broadcast_in_dim3A_369 : vector<16xi1>, vector<16xi32>
      %swap3A_371 = arith.index_cast %mul3A_353 : i32 to index
      %swap3A_372 = tpu.vector_load %arg10[%swap3A_371] {strides = array<i32>} : memref<10000xi32, #tpu.memory_space<vmem>>, vector<16xi32>,
      tpu.vector_store %arg10[%swap3A_371], %select_n3A_370 {strides = array<i32>} : memref<10000xi32, #tpu.memory_space<vmem>>, vector<16xi32>,
      %scan3A_373 = arith.constant 0 : i32
      %scan3A_374 = arith.constant 4 : i32
      %scan3A_375 = arith.addi %scan3A_278, %scan3A_374 : i32
      %mul3A_376 = arith.constant 16 : i32
      %mul3A_377 = arith.muli %scan3A_375, %mul3A_376 : i32
      %get3A_378 = arith.index_cast %mul3A_377 : i32 to index
      %get3A_379 = tpu.vector_load %arg10[%get3A_378] {strides = array<i32>} : memref<10000xi32, #tpu.memory_space<vmem>>, vector<16xi32>,
      %sub3A_380 = vector.broadcast %mul3A_61 : i32 to vector<16xi32>
      %sub3A_381 = arith.subi %get3A_379, %sub3A_380 : vector<16xi32>
      %ge3A_382 = arith.constant 0 : i32
      %ge3A_383 = vector.broadcast %ge3A_382 : i32 to vector<16xi32>
      %ge3A_384 = arith.cmpi sge, %sub3A_381, %ge3A_383 : vector<16xi32>
      %lt3A_385 = arith.constant 32 : i32
      %lt3A_386 = vector.broadcast %lt3A_385 : i32 to vector<16xi32>
      %lt3A_387 = arith.cmpi slt, %sub3A_381, %lt3A_386 : vector<16xi32>
      %and3A_388 = arith.andi %ge3A_384, %lt3A_387 : vector<16xi1>
      %mul3A_389 = arith.constant 10000 : i32
      %mul3A_390 = vector.broadcast %mul3A_389 : i32 to vector<16xi32>
      %mul3A_391 = arith.muli %sub3A_381, %mul3A_390 : vector<16xi32>
      %jit3A_392 = arith.constant 320000 : i32
      %broadcast_in_dim3A_393 = vector.broadcast %jit3A_392 : i32 to vector<16xi32>
      %select_n3A_394 = arith.select %and3A_388, %mul3A_391, %broadcast_in_dim3A_393 : vector<16xi1>, vector<16xi32>
      %swap3A_395 = arith.index_cast %mul3A_377 : i32 to index
      %swap3A_396 = tpu.vector_load %arg10[%swap3A_395] {strides = array<i32>} : memref<10000xi32, #tpu.memory_space<vmem>>, vector<16xi32>,
      tpu.vector_store %arg10[%swap3A_395], %select_n3A_394 {strides = array<i32>} : memref<10000xi32, #tpu.memory_space<vmem>>, vector<16xi32>,
      %scan3A_397 = arith.constant 0 : i32
      %scan3A_398 = arith.constant 5 : i32
      %scan3A_399 = arith.addi %scan3A_278, %scan3A_398 : i32
      %mul3A_400 = arith.constant 16 : i32
      %mul3A_401 = arith.muli %scan3A_399, %mul3A_400 : i32
      %get3A_402 = arith.index_cast %mul3A_401 : i32 to index
      %get3A_403 = tpu.vector_load %arg10[%get3A_402] {strides = array<i32>} : memref<10000xi32, #tpu.memory_space<vmem>>, vector<16xi32>,
      %sub3A_404 = vector.broadcast %mul3A_61 : i32 to vector<16xi32>
      %sub3A_405 = arith.subi %get3A_403, %sub3A_404 : vector<16xi32>
      %ge3A_406 = arith.constant 0 : i32
      %ge3A_407 = vector.broadcast %ge3A_406 : i32 to vector<16xi32>
      %ge3A_408 = arith.cmpi sge, %sub3A_405, %ge3A_407 : vector<16xi32>
      %lt3A_409 = arith.constant 32 : i32
      %lt3A_410 = vector.broadcast %lt3A_409 : i32 to vector<16xi32>
      %lt3A_411 = arith.cmpi slt, %sub3A_405, %lt3A_410 : vector<16xi32>
      %and3A_412 = arith.andi %ge3A_408, %lt3A_411 : vector<16xi1>
      %mul3A_413 = arith.constant 10000 : i32
      %mul3A_414 = vector.broadcast %mul3A_413 : i32 to vector<16xi32>
      %mul3A_415 = arith.muli %sub3A_405, %mul3A_414 : vector<16xi32>
      %jit3A_416 = arith.constant 320000 : i32
      %broadcast_in_dim3A_417 = vector.broadcast %jit3A_416 : i32 to vector<16xi32>
      %select_n3A_418 = arith.select %and3A_412, %mul3A_415, %broadcast_in_dim3A_417 : vector<16xi1>, vector<16xi32>
      %swap3A_419 = arith.index_cast %mul3A_401 : i32 to index
      %swap3A_420 = tpu.vector_load %arg10[%swap3A_419] {strides = array<i32>} : memref<10000xi32, #tpu.memory_space<vmem>>, vector<16xi32>,
      tpu.vector_store %arg10[%swap3A_419], %select_n3A_418 {strides = array<i32>} : memref<10000xi32, #tpu.memory_space<vmem>>, vector<16xi32>,
      %scan3A_421 = arith.constant 0 : i32
      %scan3A_422 = arith.constant 6 : i32
      %scan3A_423 = arith.addi %scan3A_278, %scan3A_422 : i32
      %mul3A_424 = arith.constant 16 : i32
      %mul3A_425 = arith.muli %scan3A_423, %mul3A_424 : i32
      %get3A_426 = arith.index_cast %mul3A_425 : i32 to index
      %get3A_427 = tpu.vector_load %arg10[%get3A_426] {strides = array<i32>} : memref<10000xi32, #tpu.memory_space<vmem>>, vector<16xi32>,
      %sub3A_428 = vector.broadcast %mul3A_61 : i32 to vector<16xi32>
      %sub3A_429 = arith.subi %get3A_427, %sub3A_428 : vector<16xi32>
      %ge3A_430 = arith.constant 0 : i32
      %ge3A_431 = vector.broadcast %ge3A_430 : i32 to vector<16xi32>
      %ge3A_432 = arith.cmpi sge, %sub3A_429, %ge3A_431 : vector<16xi32>
      %lt3A_433 = arith.constant 32 : i32
      %lt3A_434 = vector.broadcast %lt3A_433 : i32 to vector<16xi32>
      %lt3A_435 = arith.cmpi slt, %sub3A_429, %lt3A_434 : vector<16xi32>
      %and3A_436 = arith.andi %ge3A_432, %lt3A_435 : vector<16xi1>
      %mul3A_437 = arith.constant 10000 : i32
      %mul3A_438 = vector.broadcast %mul3A_437 : i32 to vector<16xi32>
      %mul3A_439 = arith.muli %sub3A_429, %mul3A_438 : vector<16xi32>
      %jit3A_440 = arith.constant 320000 : i32
      %broadcast_in_dim3A_441 = vector.broadcast %jit3A_440 : i32 to vector<16xi32>
      %select_n3A_442 = arith.select %and3A_436, %mul3A_439, %broadcast_in_dim3A_441 : vector<16xi1>, vector<16xi32>
      %swap3A_443 = arith.index_cast %mul3A_425 : i32 to index
      %swap3A_444 = tpu.vector_load %arg10[%swap3A_443] {strides = array<i32>} : memref<10000xi32, #tpu.memory_space<vmem>>, vector<16xi32>,
      tpu.vector_store %arg10[%swap3A_443], %select_n3A_442 {strides = array<i32>} : memref<10000xi32, #tpu.memory_space<vmem>>, vector<16xi32>,
      %scan3A_445 = arith.constant 0 : i32
      %scan3A_446 = arith.constant 7 : i32
      %scan3A_447 = arith.addi %scan3A_278, %scan3A_446 : i32
      %mul3A_448 = arith.constant 16 : i32
      %mul3A_449 = arith.muli %scan3A_447, %mul3A_448 : i32
      %get3A_450 = arith.index_cast %mul3A_449 : i32 to index
      %get3A_451 = tpu.vector_load %arg10[%get3A_450] {strides = array<i32>} : memref<10000xi32, #tpu.memory_space<vmem>>, vector<16xi32>,
      %sub3A_452 = vector.broadcast %mul3A_61 : i32 to vector<16xi32>
      %sub3A_453 = arith.subi %get3A_451, %sub3A_452 : vector<16xi32>
      %ge3A_454 = arith.constant 0 : i32
      %ge3A_455 = vector.broadcast %ge3A_454 : i32 to vector<16xi32>
      %ge3A_456 = arith.cmpi sge, %sub3A_453, %ge3A_455 : vector<16xi32>
      %lt3A_457 = arith.constant 32 : i32
      %lt3A_458 = vector.broadcast %lt3A_457 : i32 to vector<16xi32>
      %lt3A_459 = arith.cmpi slt, %sub3A_453, %lt3A_458 : vector<16xi32>
      %and3A_460 = arith.andi %ge3A_456, %lt3A_459 : vector<16xi1>
      %mul3A_461 = arith.constant 10000 : i32
      %mul3A_462 = vector.broadcast %mul3A_461 : i32 to vector<16xi32>
      %mul3A_463 = arith.muli %sub3A_453, %mul3A_462 : vector<16xi32>
      %jit3A_464 = arith.constant 320000 : i32
      %broadcast_in_dim3A_465 = vector.broadcast %jit3A_464 : i32 to vector<16xi32>
      %select_n3A_466 = arith.select %and3A_460, %mul3A_463, %broadcast_in_dim3A_465 : vector<16xi1>, vector<16xi32>
      %swap3A_467 = arith.index_cast %mul3A_449 : i32 to index
      %swap3A_468 = tpu.vector_load %arg10[%swap3A_467] {strides = array<i32>} : memref<10000xi32, #tpu.memory_space<vmem>>, vector<16xi32>,
      tpu.vector_store %arg10[%swap3A_467], %select_n3A_466 {strides = array<i32>} : memref<10000xi32, #tpu.memory_space<vmem>>, vector<16xi32>,
      %scan3A_469 = arith.constant 0 : i32
      scf.yield %scan3A_469 : i32
    }
    %scan3A_68 = arith.constant 624 : i32
    %scan3A_69 = arith.addi %scan3A_63, %scan3A_68 : i32
    %mul3A_70 = arith.constant 16 : i32
    %mul3A_71 = arith.muli %scan3A_69, %mul3A_70 : i32
    %get3A = arith.index_cast %mul3A_71 : i32 to index
    %get3A_72 = tpu.vector_load %arg10[%get3A] {strides = array<i32>} : memref<10000xi32, #tpu.memory_space<vmem>>, vector<16xi32>,
    %sub3A = vector.broadcast %mul3A_61 : i32 to vector<16xi32>
    %sub3A_73 = arith.subi %get3A_72, %sub3A : vector<16xi32>
    %ge3A = arith.constant 0 : i32
    %ge3A_74 = vector.broadcast %ge3A : i32 to vector<16xi32>
    %ge3A_75 = arith.cmpi sge, %sub3A_73, %ge3A_74 : vector<16xi32>
    %lt3A = arith.constant 32 : i32
    %lt3A_76 = vector.broadcast %lt3A : i32 to vector<16xi32>
    %lt3A_77 = arith.cmpi slt, %sub3A_73, %lt3A_76 : vector<16xi32>
    %and3A = arith.andi %ge3A_75, %lt3A_77 : vector<16xi1>
    %mul3A_78 = arith.constant 10000 : i32
    %mul3A_79 = vector.broadcast %mul3A_78 : i32 to vector<16xi32>
    %mul3A_80 = arith.muli %sub3A_73, %mul3A_79 : vector<16xi32>
    %jit3A = arith.constant 320000 : i32
    %broadcast_in_dim3A_81 = vector.broadcast %jit3A : i32 to vector<16xi32>
    %select_n3A = arith.select %and3A, %mul3A_80, %broadcast_in_dim3A_81 : vector<16xi1>, vector<16xi32>
    %swap3A_82 = arith.index_cast %mul3A_71 : i32 to index
    %swap3A_83 = tpu.vector_load %arg10[%swap3A_82] {strides = array<i32>} : memref<10000xi32, #tpu.memory_space<vmem>>, vector<16xi32>,
    tpu.vector_store %arg10[%swap3A_82], %select_n3A {strides = array<i32>} : memref<10000xi32, #tpu.memory_space<vmem>>, vector<16xi32>,
    %scan3A_84 = arith.constant 0 : i32
    %scan3A_85 = arith.constant 625 : i32
    %dma_wait3A_86 = tpu.memref_slice %arg2[%mul3A_3] : memref<320000xi32, #tpu.memory_space<hbm>> -> memref<20000xi32, #tpu.memory_space<hbm>>
    %dma_wait3A_87 = tpu.memref_slice %arg2[%mul3A_3] : memref<320000xi32, #tpu.memory_space<hbm>> -> memref<20000xi32, #tpu.memory_space<hbm>>
    tpu.wait_dma2 semaphore(%arg12 : memref<!tpu.dma_semaphore, #tpu.memory_space<semaphore_mem>>) src(%dma_wait3A_87 : memref<20000xi32, #tpu.memory_space<hbm>>) dst(%arg6 : memref<20000xi32, #tpu.memory_space<vmem>>)
    %scan3A_88 = arith.constant 0 : i32
    %scan3A_89 = arith.constant 0 : i32
    %scan3A_90 = arith.constant 1248 : i32
    %scan3A_91 = arith.addi %scan3A_89, %scan3A_90 : i32
    %scan3A_92 = arith.constant 8 : i32
    %scan3A_93 = scf.for %scan3A_278 = %scan3A_89 to %scan3A_91 step %scan3A_92 iter_args(%scan3A_279 = %scan3A_88) -> (i32)  : i32 {
      %mul3A_280 = arith.constant 16 : i32
      %mul3A_281 = arith.muli %scan3A_278, %mul3A_280 : i32
      %get3A_282 = arith.index_cast %mul3A_281 : i32 to index
      %get3A_283 = tpu.vector_load %arg7[%get3A_282] {strides = array<i32>} : memref<20000xi32, #tpu.memory_space<vmem>>, vector<16xi32>,
      %gather3A_284 = tpu.vector_load_idx %arg10[%get3A_283] : memref<10000xi32, #tpu.memory_space<vmem>>[vector<16xi32>], vector<16xi32>,
      %get3A_285 = arith.index_cast %mul3A_281 : i32 to index
      %get3A_286 = tpu.vector_load %arg6[%get3A_285] {strides = array<i32>} : memref<20000xi32, #tpu.memory_space<vmem>>, vector<16xi32>,
      %add3A_287 = arith.addi %gather3A_284, %get3A_286 : vector<16xi32>
      %swap3A_288 = arith.index_cast %mul3A_281 : i32 to index
      %swap3A_289 = tpu.vector_load %arg8[%swap3A_288] {strides = array<i32>} : memref<20000xi32, #tpu.memory_space<vmem>>, vector<16xi32>,
      tpu.vector_store %arg8[%swap3A_288], %add3A_287 {strides = array<i32>} : memref<20000xi32, #tpu.memory_space<vmem>>, vector<16xi32>,
      %scan3A_290 = arith.constant 0 : i32
      %scan3A_291 = arith.constant 1 : i32
      %scan3A_292 = arith.addi %scan3A_278, %scan3A_291 : i32
      %mul3A_293 = arith.constant 16 : i32
      %mul3A_294 = arith.muli %scan3A_292, %mul3A_293 : i32
      %get3A_295 = arith.index_cast %mul3A_294 : i32 to index
      %get3A_296 = tpu.vector_load %arg7[%get3A_295] {strides = array<i32>} : memref<20000xi32, #tpu.memory_space<vmem>>, vector<16xi32>,
      %gather3A_297 = tpu.vector_load_idx %arg10[%get3A_296] : memref<10000xi32, #tpu.memory_space<vmem>>[vector<16xi32>], vector<16xi32>,
      %get3A_298 = arith.index_cast %mul3A_294 : i32 to index
      %get3A_299 = tpu.vector_load %arg6[%get3A_298] {strides = array<i32>} : memref<20000xi32, #tpu.memory_space<vmem>>, vector<16xi32>,
      %add3A_300 = arith.addi %gather3A_297, %get3A_299 : vector<16xi32>
      %swap3A_301 = arith.index_cast %mul3A_294 : i32 to index
      %swap3A_302 = tpu.vector_load %arg8[%swap3A_301] {strides = array<i32>} : memref<20000xi32, #tpu.memory_space<vmem>>, vector<16xi32>,
      tpu.vector_store %arg8[%swap3A_301], %add3A_300 {strides = array<i32>} : memref<20000xi32, #tpu.memory_space<vmem>>, vector<16xi32>,
      %scan3A_303 = arith.constant 0 : i32
      %scan3A_304 = arith.constant 2 : i32
      %scan3A_305 = arith.addi %scan3A_278, %scan3A_304 : i32
      %mul3A_306 = arith.constant 16 : i32
      %mul3A_307 = arith.muli %scan3A_305, %mul3A_306 : i32
      %get3A_308 = arith.index_cast %mul3A_307 : i32 to index
      %get3A_309 = tpu.vector_load %arg7[%get3A_308] {strides = array<i32>} : memref<20000xi32, #tpu.memory_space<vmem>>, vector<16xi32>,
      %gather3A_310 = tpu.vector_load_idx %arg10[%get3A_309] : memref<10000xi32, #tpu.memory_space<vmem>>[vector<16xi32>], vector<16xi32>,
      %get3A_311 = arith.index_cast %mul3A_307 : i32 to index
      %get3A_312 = tpu.vector_load %arg6[%get3A_311] {strides = array<i32>} : memref<20000xi32, #tpu.memory_space<vmem>>, vector<16xi32>,
      %add3A_313 = arith.addi %gather3A_310, %get3A_312 : vector<16xi32>
      %swap3A_314 = arith.index_cast %mul3A_307 : i32 to index
      %swap3A_315 = tpu.vector_load %arg8[%swap3A_314] {strides = array<i32>} : memref<20000xi32, #tpu.memory_space<vmem>>, vector<16xi32>,
      tpu.vector_store %arg8[%swap3A_314], %add3A_313 {strides = array<i32>} : memref<20000xi32, #tpu.memory_space<vmem>>, vector<16xi32>,
      %scan3A_316 = arith.constant 0 : i32
      %scan3A_317 = arith.constant 3 : i32
      %scan3A_318 = arith.addi %scan3A_278, %scan3A_317 : i32
      %mul3A_319 = arith.constant 16 : i32
      %mul3A_320 = arith.muli %scan3A_318, %mul3A_319 : i32
      %get3A_321 = arith.index_cast %mul3A_320 : i32 to index
      %get3A_322 = tpu.vector_load %arg7[%get3A_321] {strides = array<i32>} : memref<20000xi32, #tpu.memory_space<vmem>>, vector<16xi32>,
      %gather3A_323 = tpu.vector_load_idx %arg10[%get3A_322] : memref<10000xi32, #tpu.memory_space<vmem>>[vector<16xi32>], vector<16xi32>,
      %get3A_324 = arith.index_cast %mul3A_320 : i32 to index
      %get3A_325 = tpu.vector_load %arg6[%get3A_324] {strides = array<i32>} : memref<20000xi32, #tpu.memory_space<vmem>>, vector<16xi32>,
      %add3A_326 = arith.addi %gather3A_323, %get3A_325 : vector<16xi32>
      %swap3A_327 = arith.index_cast %mul3A_320 : i32 to index
      %swap3A_328 = tpu.vector_load %arg8[%swap3A_327] {strides = array<i32>} : memref<20000xi32, #tpu.memory_space<vmem>>, vector<16xi32>,
      tpu.vector_store %arg8[%swap3A_327], %add3A_326 {strides = array<i32>} : memref<20000xi32, #tpu.memory_space<vmem>>, vector<16xi32>,
      %scan3A_329 = arith.constant 0 : i32
      %scan3A_330 = arith.constant 4 : i32
      %scan3A_331 = arith.addi %scan3A_278, %scan3A_330 : i32
      %mul3A_332 = arith.constant 16 : i32
      %mul3A_333 = arith.muli %scan3A_331, %mul3A_332 : i32
      %get3A_334 = arith.index_cast %mul3A_333 : i32 to index
      %get3A_335 = tpu.vector_load %arg7[%get3A_334] {strides = array<i32>} : memref<20000xi32, #tpu.memory_space<vmem>>, vector<16xi32>,
      %gather3A_336 = tpu.vector_load_idx %arg10[%get3A_335] : memref<10000xi32, #tpu.memory_space<vmem>>[vector<16xi32>], vector<16xi32>,
      %get3A_337 = arith.index_cast %mul3A_333 : i32 to index
      %get3A_338 = tpu.vector_load %arg6[%get3A_337] {strides = array<i32>} : memref<20000xi32, #tpu.memory_space<vmem>>, vector<16xi32>,
      %add3A_339 = arith.addi %gather3A_336, %get3A_338 : vector<16xi32>
      %swap3A_340 = arith.index_cast %mul3A_333 : i32 to index
      %swap3A_341 = tpu.vector_load %arg8[%swap3A_340] {strides = array<i32>} : memref<20000xi32, #tpu.memory_space<vmem>>, vector<16xi32>,
      tpu.vector_store %arg8[%swap3A_340], %add3A_339 {strides = array<i32>} : memref<20000xi32, #tpu.memory_space<vmem>>, vector<16xi32>,
      %scan3A_342 = arith.constant 0 : i32
      %scan3A_343 = arith.constant 5 : i32
      %scan3A_344 = arith.addi %scan3A_278, %scan3A_343 : i32
      %mul3A_345 = arith.constant 16 : i32
      %mul3A_346 = arith.muli %scan3A_344, %mul3A_345 : i32
      %get3A_347 = arith.index_cast %mul3A_346 : i32 to index
      %get3A_348 = tpu.vector_load %arg7[%get3A_347] {strides = array<i32>} : memref<20000xi32, #tpu.memory_space<vmem>>, vector<16xi32>,
      %gather3A_349 = tpu.vector_load_idx %arg10[%get3A_348] : memref<10000xi32, #tpu.memory_space<vmem>>[vector<16xi32>], vector<16xi32>,
      %get3A_350 = arith.index_cast %mul3A_346 : i32 to index
      %get3A_351 = tpu.vector_load %arg6[%get3A_350] {strides = array<i32>} : memref<20000xi32, #tpu.memory_space<vmem>>, vector<16xi32>,
      %add3A_352 = arith.addi %gather3A_349, %get3A_351 : vector<16xi32>
      %swap3A_353 = arith.index_cast %mul3A_346 : i32 to index
      %swap3A_354 = tpu.vector_load %arg8[%swap3A_353] {strides = array<i32>} : memref<20000xi32, #tpu.memory_space<vmem>>, vector<16xi32>,
      tpu.vector_store %arg8[%swap3A_353], %add3A_352 {strides = array<i32>} : memref<20000xi32, #tpu.memory_space<vmem>>, vector<16xi32>,
      %scan3A_355 = arith.constant 0 : i32
      %scan3A_356 = arith.constant 6 : i32
      %scan3A_357 = arith.addi %scan3A_278, %scan3A_356 : i32
      %mul3A_358 = arith.constant 16 : i32
      %mul3A_359 = arith.muli %scan3A_357, %mul3A_358 : i32
      %get3A_360 = arith.index_cast %mul3A_359 : i32 to index
      %get3A_361 = tpu.vector_load %arg7[%get3A_360] {strides = array<i32>} : memref<20000xi32, #tpu.memory_space<vmem>>, vector<16xi32>,
      %gather3A_362 = tpu.vector_load_idx %arg10[%get3A_361] : memref<10000xi32, #tpu.memory_space<vmem>>[vector<16xi32>], vector<16xi32>,
      %get3A_363 = arith.index_cast %mul3A_359 : i32 to index
      %get3A_364 = tpu.vector_load %arg6[%get3A_363] {strides = array<i32>} : memref<20000xi32, #tpu.memory_space<vmem>>, vector<16xi32>,
      %add3A_365 = arith.addi %gather3A_362, %get3A_364 : vector<16xi32>
      %swap3A_366 = arith.index_cast %mul3A_359 : i32 to index
      %swap3A_367 = tpu.vector_load %arg8[%swap3A_366] {strides = array<i32>} : memref<20000xi32, #tpu.memory_space<vmem>>, vector<16xi32>,
      tpu.vector_store %arg8[%swap3A_366], %add3A_365 {strides = array<i32>} : memref<20000xi32, #tpu.memory_space<vmem>>, vector<16xi32>,
      %scan3A_368 = arith.constant 0 : i32
      %scan3A_369 = arith.constant 7 : i32
      %scan3A_370 = arith.addi %scan3A_278, %scan3A_369 : i32
      %mul3A_371 = arith.constant 16 : i32
      %mul3A_372 = arith.muli %scan3A_370, %mul3A_371 : i32
      %get3A_373 = arith.index_cast %mul3A_372 : i32 to index
      %get3A_374 = tpu.vector_load %arg7[%get3A_373] {strides = array<i32>} : memref<20000xi32, #tpu.memory_space<vmem>>, vector<16xi32>,
      %gather3A_375 = tpu.vector_load_idx %arg10[%get3A_374] : memref<10000xi32, #tpu.memory_space<vmem>>[vector<16xi32>], vector<16xi32>,
      %get3A_376 = arith.index_cast %mul3A_372 : i32 to index
      %get3A_377 = tpu.vector_load %arg6[%get3A_376] {strides = array<i32>} : memref<20000xi32, #tpu.memory_space<vmem>>, vector<16xi32>,
      %add3A_378 = arith.addi %gather3A_375, %get3A_377 : vector<16xi32>
      %swap3A_379 = arith.index_cast %mul3A_372 : i32 to index
      %swap3A_380 = tpu.vector_load %arg8[%swap3A_379] {strides = array<i32>} : memref<20000xi32, #tpu.memory_space<vmem>>, vector<16xi32>,
      tpu.vector_store %arg8[%swap3A_379], %add3A_378 {strides = array<i32>} : memref<20000xi32, #tpu.memory_space<vmem>>, vector<16xi32>,
      %scan3A_381 = arith.constant 0 : i32
      scf.yield %scan3A_381 : i32
    }
    %scan3A_94 = arith.constant 1248 : i32
    %scan3A_95 = arith.addi %scan3A_89, %scan3A_94 : i32
    %mul3A_96 = arith.constant 16 : i32
    %mul3A_97 = arith.muli %scan3A_95, %mul3A_96 : i32
    %get3A_98 = arith.index_cast %mul3A_97 : i32 to index
    %get3A_99 = tpu.vector_load %arg7[%get3A_98] {strides = array<i32>} : memref<20000xi32, #tpu.memory_space<vmem>>, vector<16xi32>,
    %gather3A = tpu.vector_load_idx %arg10[%get3A_99] : memref<10000xi32, #tpu.memory_space<vmem>>[vector<16xi32>], vector<16xi32>,
    %get3A_100 = arith.index_cast %mul3A_97 : i32 to index
    %get3A_101 = tpu.vector_load %arg6[%get3A_100] {strides = array<i32>} : memref<20000xi32, #tpu.memory_space<vmem>>, vector<16xi32>,
    %add3A_102 = arith.addi %gather3A, %get3A_101 : vector<16xi32>
    %swap3A_103 = arith.index_cast %mul3A_97 : i32 to index
    %swap3A_104 = tpu.vector_load %arg8[%swap3A_103] {strides = array<i32>} : memref<20000xi32, #tpu.memory_space<vmem>>, vector<16xi32>,
    tpu.vector_store %arg8[%swap3A_103], %add3A_102 {strides = array<i32>} : memref<20000xi32, #tpu.memory_space<vmem>>, vector<16xi32>,
    %scan3A_105 = arith.constant 0 : i32
    %scan3A_106 = arith.constant 1249 : i32
    %scan3A_107 = arith.addi %scan3A_89, %scan3A_106 : i32
    %mul3A_108 = arith.constant 16 : i32
    %mul3A_109 = arith.muli %scan3A_107, %mul3A_108 : i32
    %get3A_110 = arith.index_cast %mul3A_109 : i32 to index
    %get3A_111 = tpu.vector_load %arg7[%get3A_110] {strides = array<i32>} : memref<20000xi32, #tpu.memory_space<vmem>>, vector<16xi32>,
    %gather3A_112 = tpu.vector_load_idx %arg10[%get3A_111] : memref<10000xi32, #tpu.memory_space<vmem>>[vector<16xi32>], vector<16xi32>,
    %get3A_113 = arith.index_cast %mul3A_109 : i32 to index
    %get3A_114 = tpu.vector_load %arg6[%get3A_113] {strides = array<i32>} : memref<20000xi32, #tpu.memory_space<vmem>>, vector<16xi32>,
    %add3A_115 = arith.addi %gather3A_112, %get3A_114 : vector<16xi32>
    %swap3A_116 = arith.index_cast %mul3A_109 : i32 to index
    %swap3A_117 = tpu.vector_load %arg8[%swap3A_116] {strides = array<i32>} : memref<20000xi32, #tpu.memory_space<vmem>>, vector<16xi32>,
    tpu.vector_store %arg8[%swap3A_116], %add3A_115 {strides = array<i32>} : memref<20000xi32, #tpu.memory_space<vmem>>, vector<16xi32>,
    %scan3A_118 = arith.constant 0 : i32
    %scan3A_119 = arith.constant 1250 : i32
    %dma_wait3A_120 = arith.constant 0 : i32
    %dma_wait3A_121 = tpu.memref_slice %arg17[%dma_wait3A_120] : memref<10000xf32, #tpu.memory_space<vmem_shared>> -> memref<10000xf32, #tpu.memory_space<vmem_shared>>
    tpu.wait_indirect_dma semaphore(%arg15 : memref<!tpu.dma_semaphore, #tpu.memory_space<semaphore_mem>>) src(%arg9 : memref<20000xf32, #tpu.memory_space<vmem>>) dst(%dma_wait3A_121 : memref<10000xf32, #tpu.memory_space<vmem_shared>>)
    %barrier3A_122 = arith.constant 0 : index
    tpu.barrier barrier_id(%barrier3A_122)
    "tpu.region"() ({
      %run_scoped3A = tpu.sem_alloc : memref<!tpu.dma_semaphore, #tpu.memory_space<semaphore_mem>>
      tpu.enqueue_dma source(%arg17 : memref<10000xf32, #tpu.memory_space<vmem_shared>>) target(%arg11 : memref<10000xf32, #tpu.memory_space<vmem>>) target_semaphore(%run_scoped3A : memref<!tpu.dma_semaphore, #tpu.memory_space<semaphore_mem>>)
      tpu.wait_dma2 semaphore(%run_scoped3A : memref<!tpu.dma_semaphore, #tpu.memory_space<semaphore_mem>>) src(%arg17 : memref<10000xf32, #tpu.memory_space<vmem_shared>>) dst(%arg11 : memref<10000xf32, #tpu.memory_space<vmem>>)
      tpu.yield
    }) : () -> ()
    %scan3A_123 = arith.constant 0 : i32
    %scan3A_124 = arith.constant 0 : i32
    %scan3A_125 = arith.constant 624 : i32
    %scan3A_126 = arith.addi %scan3A_124, %scan3A_125 : i32
    %scan3A_127 = arith.constant 8 : i32
    %scan3A_128 = scf.for %scan3A_278 = %scan3A_124 to %scan3A_126 step %scan3A_127 iter_args(%scan3A_279 = %scan3A_123) -> (i32)  : i32 {
      %mul3A_280 = arith.constant 16 : i32
      %mul3A_281 = arith.muli %scan3A_278, %mul3A_280 : i32
      %get3A_282 = arith.index_cast %mul3A_281 : i32 to index
      %get3A_283 = tpu.vector_load %arg11[%get3A_282] {strides = array<i32>} : memref<10000xf32, #tpu.memory_space<vmem>>, vector<16xf32>,
      %max3A_284 = arith.constant 1.000000e+00 : f32
      %max3A_285 = vector.broadcast %max3A_284 : f32 to vector<16xf32>
      %max3A_286 = arith.maximumf %get3A_283, %max3A_285 : vector<16xf32>
      %div3A_287 = arith.constant 1.000000e+00 : f32
      %div3A_288 = vector.broadcast %div3A_287 : f32 to vector<16xf32>
      %div3A_289 = arith.divf %div3A_288, %max3A_286 : vector<16xf32>
      %mul3A_290 = arith.constant 16 : i32
      %mul3A_291 = arith.muli %scan3A_278, %mul3A_290 : i32
      %swap3A_292 = arith.index_cast %mul3A_291 : i32 to index
      %swap3A_293 = tpu.vector_load %arg11[%swap3A_292] {strides = array<i32>} : memref<10000xf32, #tpu.memory_space<vmem>>, vector<16xf32>,
      tpu.vector_store %arg11[%swap3A_292], %div3A_289 {strides = array<i32>} : memref<10000xf32, #tpu.memory_space<vmem>>, vector<16xf32>,
      %scan3A_294 = arith.constant 0 : i32
      %scan3A_295 = arith.constant 1 : i32
      %scan3A_296 = arith.addi %scan3A_278, %scan3A_295 : i32
      %mul3A_297 = arith.constant 16 : i32
      %mul3A_298 = arith.muli %scan3A_296, %mul3A_297 : i32
      %get3A_299 = arith.index_cast %mul3A_298 : i32 to index
      %get3A_300 = tpu.vector_load %arg11[%get3A_299] {strides = array<i32>} : memref<10000xf32, #tpu.memory_space<vmem>>, vector<16xf32>,
      %max3A_301 = arith.constant 1.000000e+00 : f32
      %max3A_302 = vector.broadcast %max3A_301 : f32 to vector<16xf32>
      %max3A_303 = arith.maximumf %get3A_300, %max3A_302 : vector<16xf32>
      %div3A_304 = arith.constant 1.000000e+00 : f32
      %div3A_305 = vector.broadcast %div3A_304 : f32 to vector<16xf32>
      %div3A_306 = arith.divf %div3A_305, %max3A_303 : vector<16xf32>
      %mul3A_307 = arith.constant 16 : i32
      %mul3A_308 = arith.muli %scan3A_296, %mul3A_307 : i32
      %swap3A_309 = arith.index_cast %mul3A_308 : i32 to index
      %swap3A_310 = tpu.vector_load %arg11[%swap3A_309] {strides = array<i32>} : memref<10000xf32, #tpu.memory_space<vmem>>, vector<16xf32>,
      tpu.vector_store %arg11[%swap3A_309], %div3A_306 {strides = array<i32>} : memref<10000xf32, #tpu.memory_space<vmem>>, vector<16xf32>,
      %scan3A_311 = arith.constant 0 : i32
      %scan3A_312 = arith.constant 2 : i32
      %scan3A_313 = arith.addi %scan3A_278, %scan3A_312 : i32
      %mul3A_314 = arith.constant 16 : i32
      %mul3A_315 = arith.muli %scan3A_313, %mul3A_314 : i32
      %get3A_316 = arith.index_cast %mul3A_315 : i32 to index
      %get3A_317 = tpu.vector_load %arg11[%get3A_316] {strides = array<i32>} : memref<10000xf32, #tpu.memory_space<vmem>>, vector<16xf32>,
      %max3A_318 = arith.constant 1.000000e+00 : f32
      %max3A_319 = vector.broadcast %max3A_318 : f32 to vector<16xf32>
      %max3A_320 = arith.maximumf %get3A_317, %max3A_319 : vector<16xf32>
      %div3A_321 = arith.constant 1.000000e+00 : f32
      %div3A_322 = vector.broadcast %div3A_321 : f32 to vector<16xf32>
      %div3A_323 = arith.divf %div3A_322, %max3A_320 : vector<16xf32>
      %mul3A_324 = arith.constant 16 : i32
      %mul3A_325 = arith.muli %scan3A_313, %mul3A_324 : i32
      %swap3A_326 = arith.index_cast %mul3A_325 : i32 to index
      %swap3A_327 = tpu.vector_load %arg11[%swap3A_326] {strides = array<i32>} : memref<10000xf32, #tpu.memory_space<vmem>>, vector<16xf32>,
      tpu.vector_store %arg11[%swap3A_326], %div3A_323 {strides = array<i32>} : memref<10000xf32, #tpu.memory_space<vmem>>, vector<16xf32>,
      %scan3A_328 = arith.constant 0 : i32
      %scan3A_329 = arith.constant 3 : i32
      %scan3A_330 = arith.addi %scan3A_278, %scan3A_329 : i32
      %mul3A_331 = arith.constant 16 : i32
      %mul3A_332 = arith.muli %scan3A_330, %mul3A_331 : i32
      %get3A_333 = arith.index_cast %mul3A_332 : i32 to index
      %get3A_334 = tpu.vector_load %arg11[%get3A_333] {strides = array<i32>} : memref<10000xf32, #tpu.memory_space<vmem>>, vector<16xf32>,
      %max3A_335 = arith.constant 1.000000e+00 : f32
      %max3A_336 = vector.broadcast %max3A_335 : f32 to vector<16xf32>
      %max3A_337 = arith.maximumf %get3A_334, %max3A_336 : vector<16xf32>
      %div3A_338 = arith.constant 1.000000e+00 : f32
      %div3A_339 = vector.broadcast %div3A_338 : f32 to vector<16xf32>
      %div3A_340 = arith.divf %div3A_339, %max3A_337 : vector<16xf32>
      %mul3A_341 = arith.constant 16 : i32
      %mul3A_342 = arith.muli %scan3A_330, %mul3A_341 : i32
      %swap3A_343 = arith.index_cast %mul3A_342 : i32 to index
      %swap3A_344 = tpu.vector_load %arg11[%swap3A_343] {strides = array<i32>} : memref<10000xf32, #tpu.memory_space<vmem>>, vector<16xf32>,
      tpu.vector_store %arg11[%swap3A_343], %div3A_340 {strides = array<i32>} : memref<10000xf32, #tpu.memory_space<vmem>>, vector<16xf32>,
      %scan3A_345 = arith.constant 0 : i32
      %scan3A_346 = arith.constant 4 : i32
      %scan3A_347 = arith.addi %scan3A_278, %scan3A_346 : i32
      %mul3A_348 = arith.constant 16 : i32
      %mul3A_349 = arith.muli %scan3A_347, %mul3A_348 : i32
      %get3A_350 = arith.index_cast %mul3A_349 : i32 to index
      %get3A_351 = tpu.vector_load %arg11[%get3A_350] {strides = array<i32>} : memref<10000xf32, #tpu.memory_space<vmem>>, vector<16xf32>,
      %max3A_352 = arith.constant 1.000000e+00 : f32
      %max3A_353 = vector.broadcast %max3A_352 : f32 to vector<16xf32>
      %max3A_354 = arith.maximumf %get3A_351, %max3A_353 : vector<16xf32>
      %div3A_355 = arith.constant 1.000000e+00 : f32
      %div3A_356 = vector.broadcast %div3A_355 : f32 to vector<16xf32>
      %div3A_357 = arith.divf %div3A_356, %max3A_354 : vector<16xf32>
      %mul3A_358 = arith.constant 16 : i32
      %mul3A_359 = arith.muli %scan3A_347, %mul3A_358 : i32
      %swap3A_360 = arith.index_cast %mul3A_359 : i32 to index
      %swap3A_361 = tpu.vector_load %arg11[%swap3A_360] {strides = array<i32>} : memref<10000xf32, #tpu.memory_space<vmem>>, vector<16xf32>,
      tpu.vector_store %arg11[%swap3A_360], %div3A_357 {strides = array<i32>} : memref<10000xf32, #tpu.memory_space<vmem>>, vector<16xf32>,
      %scan3A_362 = arith.constant 0 : i32
      %scan3A_363 = arith.constant 5 : i32
      %scan3A_364 = arith.addi %scan3A_278, %scan3A_363 : i32
      %mul3A_365 = arith.constant 16 : i32
      %mul3A_366 = arith.muli %scan3A_364, %mul3A_365 : i32
      %get3A_367 = arith.index_cast %mul3A_366 : i32 to index
      %get3A_368 = tpu.vector_load %arg11[%get3A_367] {strides = array<i32>} : memref<10000xf32, #tpu.memory_space<vmem>>, vector<16xf32>,
      %max3A_369 = arith.constant 1.000000e+00 : f32
      %max3A_370 = vector.broadcast %max3A_369 : f32 to vector<16xf32>
      %max3A_371 = arith.maximumf %get3A_368, %max3A_370 : vector<16xf32>
      %div3A_372 = arith.constant 1.000000e+00 : f32
      %div3A_373 = vector.broadcast %div3A_372 : f32 to vector<16xf32>
      %div3A_374 = arith.divf %div3A_373, %max3A_371 : vector<16xf32>
      %mul3A_375 = arith.constant 16 : i32
      %mul3A_376 = arith.muli %scan3A_364, %mul3A_375 : i32
      %swap3A_377 = arith.index_cast %mul3A_376 : i32 to index
      %swap3A_378 = tpu.vector_load %arg11[%swap3A_377] {strides = array<i32>} : memref<10000xf32, #tpu.memory_space<vmem>>, vector<16xf32>,
      tpu.vector_store %arg11[%swap3A_377], %div3A_374 {strides = array<i32>} : memref<10000xf32, #tpu.memory_space<vmem>>, vector<16xf32>,
      %scan3A_379 = arith.constant 0 : i32
      %scan3A_380 = arith.constant 6 : i32
      %scan3A_381 = arith.addi %scan3A_278, %scan3A_380 : i32
      %mul3A_382 = arith.constant 16 : i32
      %mul3A_383 = arith.muli %scan3A_381, %mul3A_382 : i32
      %get3A_384 = arith.index_cast %mul3A_383 : i32 to index
      %get3A_385 = tpu.vector_load %arg11[%get3A_384] {strides = array<i32>} : memref<10000xf32, #tpu.memory_space<vmem>>, vector<16xf32>,
      %max3A_386 = arith.constant 1.000000e+00 : f32
      %max3A_387 = vector.broadcast %max3A_386 : f32 to vector<16xf32>
      %max3A_388 = arith.maximumf %get3A_385, %max3A_387 : vector<16xf32>
      %div3A_389 = arith.constant 1.000000e+00 : f32
      %div3A_390 = vector.broadcast %div3A_389 : f32 to vector<16xf32>
      %div3A_391 = arith.divf %div3A_390, %max3A_388 : vector<16xf32>
      %mul3A_392 = arith.constant 16 : i32
      %mul3A_393 = arith.muli %scan3A_381, %mul3A_392 : i32
      %swap3A_394 = arith.index_cast %mul3A_393 : i32 to index
      %swap3A_395 = tpu.vector_load %arg11[%swap3A_394] {strides = array<i32>} : memref<10000xf32, #tpu.memory_space<vmem>>, vector<16xf32>,
      tpu.vector_store %arg11[%swap3A_394], %div3A_391 {strides = array<i32>} : memref<10000xf32, #tpu.memory_space<vmem>>, vector<16xf32>,
      %scan3A_396 = arith.constant 0 : i32
      %scan3A_397 = arith.constant 7 : i32
      %scan3A_398 = arith.addi %scan3A_278, %scan3A_397 : i32
      %mul3A_399 = arith.constant 16 : i32
      %mul3A_400 = arith.muli %scan3A_398, %mul3A_399 : i32
      %get3A_401 = arith.index_cast %mul3A_400 : i32 to index
      %get3A_402 = tpu.vector_load %arg11[%get3A_401] {strides = array<i32>} : memref<10000xf32, #tpu.memory_space<vmem>>, vector<16xf32>,
      %max3A_403 = arith.constant 1.000000e+00 : f32
      %max3A_404 = vector.broadcast %max3A_403 : f32 to vector<16xf32>
      %max3A_405 = arith.maximumf %get3A_402, %max3A_404 : vector<16xf32>
      %div3A_406 = arith.constant 1.000000e+00 : f32
      %div3A_407 = vector.broadcast %div3A_406 : f32 to vector<16xf32>
      %div3A_408 = arith.divf %div3A_407, %max3A_405 : vector<16xf32>
      %mul3A_409 = arith.constant 16 : i32
      %mul3A_410 = arith.muli %scan3A_398, %mul3A_409 : i32
      %swap3A_411 = arith.index_cast %mul3A_410 : i32 to index
      %swap3A_412 = tpu.vector_load %arg11[%swap3A_411] {strides = array<i32>} : memref<10000xf32, #tpu.memory_space<vmem>>, vector<16xf32>,
      tpu.vector_store %arg11[%swap3A_411], %div3A_408 {strides = array<i32>} : memref<10000xf32, #tpu.memory_space<vmem>>, vector<16xf32>,
      %scan3A_413 = arith.constant 0 : i32
      scf.yield %scan3A_413 : i32
    }
    %scan3A_129 = arith.constant 624 : i32
    %scan3A_130 = arith.addi %scan3A_124, %scan3A_129 : i32
    %mul3A_131 = arith.constant 16 : i32
    %mul3A_132 = arith.muli %scan3A_130, %mul3A_131 : i32
    %get3A_133 = arith.index_cast %mul3A_132 : i32 to index
    %get3A_134 = tpu.vector_load %arg11[%get3A_133] {strides = array<i32>} : memref<10000xf32, #tpu.memory_space<vmem>>, vector<16xf32>,
    %max3A = arith.constant 1.000000e+00 : f32
    %max3A_135 = vector.broadcast %max3A : f32 to vector<16xf32>
    %max3A_136 = arith.maximumf %get3A_134, %max3A_135 : vector<16xf32>
    %div3A = arith.constant 1.000000e+00 : f32
    %div3A_137 = vector.broadcast %div3A : f32 to vector<16xf32>
    %div3A_138 = arith.divf %div3A_137, %max3A_136 : vector<16xf32>
    %mul3A_139 = arith.constant 16 : i32
    %mul3A_140 = arith.muli %scan3A_130, %mul3A_139 : i32
    %swap3A_141 = arith.index_cast %mul3A_140 : i32 to index
    %swap3A_142 = tpu.vector_load %arg11[%swap3A_141] {strides = array<i32>} : memref<10000xf32, #tpu.memory_space<vmem>>, vector<16xf32>,
    tpu.vector_store %arg11[%swap3A_141], %div3A_138 {strides = array<i32>} : memref<10000xf32, #tpu.memory_space<vmem>>, vector<16xf32>,
    %scan3A_143 = arith.constant 0 : i32
    %scan3A_144 = arith.constant 625 : i32
    %scan3A_145 = arith.constant 0 : i32
    %scan3A_146 = arith.constant 0 : i32
    %scan3A_147 = arith.constant 250 : i32
    %scan3A_148 = arith.addi %scan3A_146, %scan3A_147 : i32
    %scan3A_149 = arith.constant 5 : i32
    %scan3A_150 = scf.for %scan3A_278 = %scan3A_146 to %scan3A_148 step %scan3A_149 iter_args(%scan3A_279 = %scan3A_145) -> (i32)  : i32 {
      %mul3A_280 = arith.constant 16 : i32
      %mul3A_281 = arith.muli %scan3A_278, %mul3A_280 : i32
      %get3A_282 = arith.index_cast %mul3A_281 : i32 to index
      %get3A_283 = tpu.vector_load %arg7[%get3A_282] {strides = array<i32>} : memref<20000xi32, #tpu.memory_space<vmem>>, vector<16xi32>,
      %gather3A_284 = tpu.vector_load_idx %arg11[%get3A_283] : memref<10000xf32, #tpu.memory_space<vmem>>[vector<16xi32>], vector<16xf32>,
      %swap3A_285 = arith.index_cast %mul3A_281 : i32 to index
      %swap3A_286 = tpu.vector_load %arg9[%swap3A_285] {strides = array<i32>} : memref<20000xf32, #tpu.memory_space<vmem>>, vector<16xf32>,
      tpu.vector_store %arg9[%swap3A_285], %gather3A_284 {strides = array<i32>} : memref<20000xf32, #tpu.memory_space<vmem>>, vector<16xf32>,
      %scan3A_287 = arith.constant 0 : i32
      %scan3A_288 = arith.constant 1 : i32
      %scan3A_289 = arith.addi %scan3A_278, %scan3A_288 : i32
      %mul3A_290 = arith.constant 16 : i32
      %mul3A_291 = arith.muli %scan3A_289, %mul3A_290 : i32
      %get3A_292 = arith.index_cast %mul3A_291 : i32 to index
      %get3A_293 = tpu.vector_load %arg7[%get3A_292] {strides = array<i32>} : memref<20000xi32, #tpu.memory_space<vmem>>, vector<16xi32>,
      %gather3A_294 = tpu.vector_load_idx %arg11[%get3A_293] : memref<10000xf32, #tpu.memory_space<vmem>>[vector<16xi32>], vector<16xf32>,
      %swap3A_295 = arith.index_cast %mul3A_291 : i32 to index
      %swap3A_296 = tpu.vector_load %arg9[%swap3A_295] {strides = array<i32>} : memref<20000xf32, #tpu.memory_space<vmem>>, vector<16xf32>,
      tpu.vector_store %arg9[%swap3A_295], %gather3A_294 {strides = array<i32>} : memref<20000xf32, #tpu.memory_space<vmem>>, vector<16xf32>,
      %scan3A_297 = arith.constant 0 : i32
      %scan3A_298 = arith.constant 2 : i32
      %scan3A_299 = arith.addi %scan3A_278, %scan3A_298 : i32
      %mul3A_300 = arith.constant 16 : i32
      %mul3A_301 = arith.muli %scan3A_299, %mul3A_300 : i32
      %get3A_302 = arith.index_cast %mul3A_301 : i32 to index
      %get3A_303 = tpu.vector_load %arg7[%get3A_302] {strides = array<i32>} : memref<20000xi32, #tpu.memory_space<vmem>>, vector<16xi32>,
      %gather3A_304 = tpu.vector_load_idx %arg11[%get3A_303] : memref<10000xf32, #tpu.memory_space<vmem>>[vector<16xi32>], vector<16xf32>,
      %swap3A_305 = arith.index_cast %mul3A_301 : i32 to index
      %swap3A_306 = tpu.vector_load %arg9[%swap3A_305] {strides = array<i32>} : memref<20000xf32, #tpu.memory_space<vmem>>, vector<16xf32>,
      tpu.vector_store %arg9[%swap3A_305], %gather3A_304 {strides = array<i32>} : memref<20000xf32, #tpu.memory_space<vmem>>, vector<16xf32>,
      %scan3A_307 = arith.constant 0 : i32
      %scan3A_308 = arith.constant 3 : i32
      %scan3A_309 = arith.addi %scan3A_278, %scan3A_308 : i32
      %mul3A_310 = arith.constant 16 : i32
      %mul3A_311 = arith.muli %scan3A_309, %mul3A_310 : i32
      %get3A_312 = arith.index_cast %mul3A_311 : i32 to index
      %get3A_313 = tpu.vector_load %arg7[%get3A_312] {strides = array<i32>} : memref<20000xi32, #tpu.memory_space<vmem>>, vector<16xi32>,
      %gather3A_314 = tpu.vector_load_idx %arg11[%get3A_313] : memref<10000xf32, #tpu.memory_space<vmem>>[vector<16xi32>], vector<16xf32>,
      %swap3A_315 = arith.index_cast %mul3A_311 : i32 to index
      %swap3A_316 = tpu.vector_load %arg9[%swap3A_315] {strides = array<i32>} : memref<20000xf32, #tpu.memory_space<vmem>>, vector<16xf32>,
      tpu.vector_store %arg9[%swap3A_315], %gather3A_314 {strides = array<i32>} : memref<20000xf32, #tpu.memory_space<vmem>>, vector<16xf32>,
      %scan3A_317 = arith.constant 0 : i32
      %scan3A_318 = arith.constant 4 : i32
      %scan3A_319 = arith.addi %scan3A_278, %scan3A_318 : i32
      %mul3A_320 = arith.constant 16 : i32
      %mul3A_321 = arith.muli %scan3A_319, %mul3A_320 : i32
      %get3A_322 = arith.index_cast %mul3A_321 : i32 to index
      %get3A_323 = tpu.vector_load %arg7[%get3A_322] {strides = array<i32>} : memref<20000xi32, #tpu.memory_space<vmem>>, vector<16xi32>,
      %gather3A_324 = tpu.vector_load_idx %arg11[%get3A_323] : memref<10000xf32, #tpu.memory_space<vmem>>[vector<16xi32>], vector<16xf32>,
      %swap3A_325 = arith.index_cast %mul3A_321 : i32 to index
      %swap3A_326 = tpu.vector_load %arg9[%swap3A_325] {strides = array<i32>} : memref<20000xf32, #tpu.memory_space<vmem>>, vector<16xf32>,
      tpu.vector_store %arg9[%swap3A_325], %gather3A_324 {strides = array<i32>} : memref<20000xf32, #tpu.memory_space<vmem>>, vector<16xf32>,
      %scan3A_327 = arith.constant 0 : i32
      scf.yield %scan3A_327 : i32
    }
    %scan3A_151 = arith.constant 250 : i32
    %dma_start3A_152 = arith.constant 0 : i32
    %dma_start3A_153 = tpu.memref_slice %arg9[%dma_start3A_152] : memref<20000xf32, #tpu.memory_space<vmem>> -> memref<4000xf32, #tpu.memory_space<vmem>>
    %dma_start3A_154 = arith.constant 0 : i32
    %dma_start3A_155 = tpu.memref_slice %arg8[%dma_start3A_154] : memref<20000xi32, #tpu.memory_space<vmem>> -> memref<4000xi32, #tpu.memory_space<vmem>>
    %dma_start3A_156 = arith.constant 0 : i32
    %dma_start3A_157 = tpu.memref_slice %arg18[%dma_start3A_156] : memref<330000xf32, #tpu.memory_space<vmem_shared>> -> memref<330000xf32, #tpu.memory_space<vmem_shared>>
    tpu.enqueue_indirect_dma source(%dma_start3A_153 : memref<4000xf32, #tpu.memory_space<vmem>>) target(%dma_start3A_157 : memref<330000xf32, #tpu.memory_space<vmem_shared>>) offsets(%dma_start3A_155 : memref<4000xi32, #tpu.memory_space<vmem>>) semaphore(%arg15 : memref<!tpu.dma_semaphore, #tpu.memory_space<semaphore_mem>>) {add = true}
    %scan3A_158 = arith.constant 0 : i32
    %scan3A_159 = arith.constant 250 : i32
    %scan3A_160 = arith.constant 250 : i32
    %scan3A_161 = arith.addi %scan3A_159, %scan3A_160 : i32
    %scan3A_162 = arith.constant 5 : i32
    %scan3A_163 = scf.for %scan3A_278 = %scan3A_159 to %scan3A_161 step %scan3A_162 iter_args(%scan3A_279 = %scan3A_158) -> (i32)  : i32 {
      %mul3A_280 = arith.constant 16 : i32
      %mul3A_281 = arith.muli %scan3A_278, %mul3A_280 : i32
      %get3A_282 = arith.index_cast %mul3A_281 : i32 to index
      %get3A_283 = tpu.vector_load %arg7[%get3A_282] {strides = array<i32>} : memref<20000xi32, #tpu.memory_space<vmem>>, vector<16xi32>,
      %gather3A_284 = tpu.vector_load_idx %arg11[%get3A_283] : memref<10000xf32, #tpu.memory_space<vmem>>[vector<16xi32>], vector<16xf32>,
      %swap3A_285 = arith.index_cast %mul3A_281 : i32 to index
      %swap3A_286 = tpu.vector_load %arg9[%swap3A_285] {strides = array<i32>} : memref<20000xf32, #tpu.memory_space<vmem>>, vector<16xf32>,
      tpu.vector_store %arg9[%swap3A_285], %gather3A_284 {strides = array<i32>} : memref<20000xf32, #tpu.memory_space<vmem>>, vector<16xf32>,
      %scan3A_287 = arith.constant 0 : i32
      %scan3A_288 = arith.constant 1 : i32
      %scan3A_289 = arith.addi %scan3A_278, %scan3A_288 : i32
      %mul3A_290 = arith.constant 16 : i32
      %mul3A_291 = arith.muli %scan3A_289, %mul3A_290 : i32
      %get3A_292 = arith.index_cast %mul3A_291 : i32 to index
      %get3A_293 = tpu.vector_load %arg7[%get3A_292] {strides = array<i32>} : memref<20000xi32, #tpu.memory_space<vmem>>, vector<16xi32>,
      %gather3A_294 = tpu.vector_load_idx %arg11[%get3A_293] : memref<10000xf32, #tpu.memory_space<vmem>>[vector<16xi32>], vector<16xf32>,
      %swap3A_295 = arith.index_cast %mul3A_291 : i32 to index
      %swap3A_296 = tpu.vector_load %arg9[%swap3A_295] {strides = array<i32>} : memref<20000xf32, #tpu.memory_space<vmem>>, vector<16xf32>,
      tpu.vector_store %arg9[%swap3A_295], %gather3A_294 {strides = array<i32>} : memref<20000xf32, #tpu.memory_space<vmem>>, vector<16xf32>,
      %scan3A_297 = arith.constant 0 : i32
      %scan3A_298 = arith.constant 2 : i32
      %scan3A_299 = arith.addi %scan3A_278, %scan3A_298 : i32
      %mul3A_300 = arith.constant 16 : i32
      %mul3A_301 = arith.muli %scan3A_299, %mul3A_300 : i32
      %get3A_302 = arith.index_cast %mul3A_301 : i32 to index
      %get3A_303 = tpu.vector_load %arg7[%get3A_302] {strides = array<i32>} : memref<20000xi32, #tpu.memory_space<vmem>>, vector<16xi32>,
      %gather3A_304 = tpu.vector_load_idx %arg11[%get3A_303] : memref<10000xf32, #tpu.memory_space<vmem>>[vector<16xi32>], vector<16xf32>,
      %swap3A_305 = arith.index_cast %mul3A_301 : i32 to index
      %swap3A_306 = tpu.vector_load %arg9[%swap3A_305] {strides = array<i32>} : memref<20000xf32, #tpu.memory_space<vmem>>, vector<16xf32>,
      tpu.vector_store %arg9[%swap3A_305], %gather3A_304 {strides = array<i32>} : memref<20000xf32, #tpu.memory_space<vmem>>, vector<16xf32>,
      %scan3A_307 = arith.constant 0 : i32
      %scan3A_308 = arith.constant 3 : i32
      %scan3A_309 = arith.addi %scan3A_278, %scan3A_308 : i32
      %mul3A_310 = arith.constant 16 : i32
      %mul3A_311 = arith.muli %scan3A_309, %mul3A_310 : i32
      %get3A_312 = arith.index_cast %mul3A_311 : i32 to index
      %get3A_313 = tpu.vector_load %arg7[%get3A_312] {strides = array<i32>} : memref<20000xi32, #tpu.memory_space<vmem>>, vector<16xi32>,
      %gather3A_314 = tpu.vector_load_idx %arg11[%get3A_313] : memref<10000xf32, #tpu.memory_space<vmem>>[vector<16xi32>], vector<16xf32>,
      %swap3A_315 = arith.index_cast %mul3A_311 : i32 to index
      %swap3A_316 = tpu.vector_load %arg9[%swap3A_315] {strides = array<i32>} : memref<20000xf32, #tpu.memory_space<vmem>>, vector<16xf32>,
      tpu.vector_store %arg9[%swap3A_315], %gather3A_314 {strides = array<i32>} : memref<20000xf32, #tpu.memory_space<vmem>>, vector<16xf32>,
      %scan3A_317 = arith.constant 0 : i32
      %scan3A_318 = arith.constant 4 : i32
      %scan3A_319 = arith.addi %scan3A_278, %scan3A_318 : i32
      %mul3A_320 = arith.constant 16 : i32
      %mul3A_321 = arith.muli %scan3A_319, %mul3A_320 : i32
      %get3A_322 = arith.index_cast %mul3A_321 : i32 to index
      %get3A_323 = tpu.vector_load %arg7[%get3A_322] {strides = array<i32>} : memref<20000xi32, #tpu.memory_space<vmem>>, vector<16xi32>,
      %gather3A_324 = tpu.vector_load_idx %arg11[%get3A_323] : memref<10000xf32, #tpu.memory_space<vmem>>[vector<16xi32>], vector<16xf32>,
      %swap3A_325 = arith.index_cast %mul3A_321 : i32 to index
      %swap3A_326 = tpu.vector_load %arg9[%swap3A_325] {strides = array<i32>} : memref<20000xf32, #tpu.memory_space<vmem>>, vector<16xf32>,
      tpu.vector_store %arg9[%swap3A_325], %gather3A_324 {strides = array<i32>} : memref<20000xf32, #tpu.memory_space<vmem>>, vector<16xf32>,
      %scan3A_327 = arith.constant 0 : i32
      scf.yield %scan3A_327 : i32
    }
    %scan3A_164 = arith.constant 250 : i32
    %dma_start3A_165 = arith.constant 4000 : i32
    %dma_start3A_166 = tpu.memref_slice %arg9[%dma_start3A_165] : memref<20000xf32, #tpu.memory_space<vmem>> -> memref<4000xf32, #tpu.memory_space<vmem>>
    %dma_start3A_167 = arith.constant 4000 : i32
    %dma_start3A_168 = tpu.memref_slice %arg8[%dma_start3A_167] : memref<20000xi32, #tpu.memory_space<vmem>> -> memref<4000xi32, #tpu.memory_space<vmem>>
    %dma_start3A_169 = arith.constant 0 : i32
    %dma_start3A_170 = tpu.memref_slice %arg18[%dma_start3A_169] : memref<330000xf32, #tpu.memory_space<vmem_shared>> -> memref<330000xf32, #tpu.memory_space<vmem_shared>>
    tpu.enqueue_indirect_dma source(%dma_start3A_166 : memref<4000xf32, #tpu.memory_space<vmem>>) target(%dma_start3A_170 : memref<330000xf32, #tpu.memory_space<vmem_shared>>) offsets(%dma_start3A_168 : memref<4000xi32, #tpu.memory_space<vmem>>) semaphore(%arg15 : memref<!tpu.dma_semaphore, #tpu.memory_space<semaphore_mem>>) {add = true}
    %scan3A_171 = arith.constant 0 : i32
    %scan3A_172 = arith.constant 500 : i32
    %scan3A_173 = arith.constant 250 : i32
    %scan3A_174 = arith.addi %scan3A_172, %scan3A_173 : i32
    %scan3A_175 = arith.constant 5 : i32
    %scan3A_176 = scf.for %scan3A_278 = %scan3A_172 to %scan3A_174 step %scan3A_175 iter_args(%scan3A_279 = %scan3A_171) -> (i32)  : i32 {
      %mul3A_280 = arith.constant 16 : i32
      %mul3A_281 = arith.muli %scan3A_278, %mul3A_280 : i32
      %get3A_282 = arith.index_cast %mul3A_281 : i32 to index
      %get3A_283 = tpu.vector_load %arg7[%get3A_282] {strides = array<i32>} : memref<20000xi32, #tpu.memory_space<vmem>>, vector<16xi32>,
      %gather3A_284 = tpu.vector_load_idx %arg11[%get3A_283] : memref<10000xf32, #tpu.memory_space<vmem>>[vector<16xi32>], vector<16xf32>,
      %swap3A_285 = arith.index_cast %mul3A_281 : i32 to index
      %swap3A_286 = tpu.vector_load %arg9[%swap3A_285] {strides = array<i32>} : memref<20000xf32, #tpu.memory_space<vmem>>, vector<16xf32>,
      tpu.vector_store %arg9[%swap3A_285], %gather3A_284 {strides = array<i32>} : memref<20000xf32, #tpu.memory_space<vmem>>, vector<16xf32>,
      %scan3A_287 = arith.constant 0 : i32
      %scan3A_288 = arith.constant 1 : i32
      %scan3A_289 = arith.addi %scan3A_278, %scan3A_288 : i32
      %mul3A_290 = arith.constant 16 : i32
      %mul3A_291 = arith.muli %scan3A_289, %mul3A_290 : i32
      %get3A_292 = arith.index_cast %mul3A_291 : i32 to index
      %get3A_293 = tpu.vector_load %arg7[%get3A_292] {strides = array<i32>} : memref<20000xi32, #tpu.memory_space<vmem>>, vector<16xi32>,
      %gather3A_294 = tpu.vector_load_idx %arg11[%get3A_293] : memref<10000xf32, #tpu.memory_space<vmem>>[vector<16xi32>], vector<16xf32>,
      %swap3A_295 = arith.index_cast %mul3A_291 : i32 to index
      %swap3A_296 = tpu.vector_load %arg9[%swap3A_295] {strides = array<i32>} : memref<20000xf32, #tpu.memory_space<vmem>>, vector<16xf32>,
      tpu.vector_store %arg9[%swap3A_295], %gather3A_294 {strides = array<i32>} : memref<20000xf32, #tpu.memory_space<vmem>>, vector<16xf32>,
      %scan3A_297 = arith.constant 0 : i32
      %scan3A_298 = arith.constant 2 : i32
      %scan3A_299 = arith.addi %scan3A_278, %scan3A_298 : i32
      %mul3A_300 = arith.constant 16 : i32
      %mul3A_301 = arith.muli %scan3A_299, %mul3A_300 : i32
      %get3A_302 = arith.index_cast %mul3A_301 : i32 to index
      %get3A_303 = tpu.vector_load %arg7[%get3A_302] {strides = array<i32>} : memref<20000xi32, #tpu.memory_space<vmem>>, vector<16xi32>,
      %gather3A_304 = tpu.vector_load_idx %arg11[%get3A_303] : memref<10000xf32, #tpu.memory_space<vmem>>[vector<16xi32>], vector<16xf32>,
      %swap3A_305 = arith.index_cast %mul3A_301 : i32 to index
      %swap3A_306 = tpu.vector_load %arg9[%swap3A_305] {strides = array<i32>} : memref<20000xf32, #tpu.memory_space<vmem>>, vector<16xf32>,
      tpu.vector_store %arg9[%swap3A_305], %gather3A_304 {strides = array<i32>} : memref<20000xf32, #tpu.memory_space<vmem>>, vector<16xf32>,
      %scan3A_307 = arith.constant 0 : i32
      %scan3A_308 = arith.constant 3 : i32
      %scan3A_309 = arith.addi %scan3A_278, %scan3A_308 : i32
      %mul3A_310 = arith.constant 16 : i32
      %mul3A_311 = arith.muli %scan3A_309, %mul3A_310 : i32
      %get3A_312 = arith.index_cast %mul3A_311 : i32 to index
      %get3A_313 = tpu.vector_load %arg7[%get3A_312] {strides = array<i32>} : memref<20000xi32, #tpu.memory_space<vmem>>, vector<16xi32>,
      %gather3A_314 = tpu.vector_load_idx %arg11[%get3A_313] : memref<10000xf32, #tpu.memory_space<vmem>>[vector<16xi32>], vector<16xf32>,
      %swap3A_315 = arith.index_cast %mul3A_311 : i32 to index
      %swap3A_316 = tpu.vector_load %arg9[%swap3A_315] {strides = array<i32>} : memref<20000xf32, #tpu.memory_space<vmem>>, vector<16xf32>,
      tpu.vector_store %arg9[%swap3A_315], %gather3A_314 {strides = array<i32>} : memref<20000xf32, #tpu.memory_space<vmem>>, vector<16xf32>,
      %scan3A_317 = arith.constant 0 : i32
      %scan3A_318 = arith.constant 4 : i32
      %scan3A_319 = arith.addi %scan3A_278, %scan3A_318 : i32
      %mul3A_320 = arith.constant 16 : i32
      %mul3A_321 = arith.muli %scan3A_319, %mul3A_320 : i32
      %get3A_322 = arith.index_cast %mul3A_321 : i32 to index
      %get3A_323 = tpu.vector_load %arg7[%get3A_322] {strides = array<i32>} : memref<20000xi32, #tpu.memory_space<vmem>>, vector<16xi32>,
      %gather3A_324 = tpu.vector_load_idx %arg11[%get3A_323] : memref<10000xf32, #tpu.memory_space<vmem>>[vector<16xi32>], vector<16xf32>,
      %swap3A_325 = arith.index_cast %mul3A_321 : i32 to index
      %swap3A_326 = tpu.vector_load %arg9[%swap3A_325] {strides = array<i32>} : memref<20000xf32, #tpu.memory_space<vmem>>, vector<16xf32>,
      tpu.vector_store %arg9[%swap3A_325], %gather3A_324 {strides = array<i32>} : memref<20000xf32, #tpu.memory_space<vmem>>, vector<16xf32>,
      %scan3A_327 = arith.constant 0 : i32
      scf.yield %scan3A_327 : i32
    }
    %scan3A_177 = arith.constant 250 : i32
    %dma_start3A_178 = arith.constant 8000 : i32
    %dma_start3A_179 = tpu.memref_slice %arg9[%dma_start3A_178] : memref<20000xf32, #tpu.memory_space<vmem>> -> memref<4000xf32, #tpu.memory_space<vmem>>
    %dma_start3A_180 = arith.constant 8000 : i32
    %dma_start3A_181 = tpu.memref_slice %arg8[%dma_start3A_180] : memref<20000xi32, #tpu.memory_space<vmem>> -> memref<4000xi32, #tpu.memory_space<vmem>>
    %dma_start3A_182 = arith.constant 0 : i32
    %dma_start3A_183 = tpu.memref_slice %arg18[%dma_start3A_182] : memref<330000xf32, #tpu.memory_space<vmem_shared>> -> memref<330000xf32, #tpu.memory_space<vmem_shared>>
    tpu.enqueue_indirect_dma source(%dma_start3A_179 : memref<4000xf32, #tpu.memory_space<vmem>>) target(%dma_start3A_183 : memref<330000xf32, #tpu.memory_space<vmem_shared>>) offsets(%dma_start3A_181 : memref<4000xi32, #tpu.memory_space<vmem>>) semaphore(%arg15 : memref<!tpu.dma_semaphore, #tpu.memory_space<semaphore_mem>>) {add = true}
    %scan3A_184 = arith.constant 0 : i32
    %scan3A_185 = arith.constant 750 : i32
    %scan3A_186 = arith.constant 250 : i32
    %scan3A_187 = arith.addi %scan3A_185, %scan3A_186 : i32
    %scan3A_188 = arith.constant 5 : i32
    %scan3A_189 = scf.for %scan3A_278 = %scan3A_185 to %scan3A_187 step %scan3A_188 iter_args(%scan3A_279 = %scan3A_184) -> (i32)  : i32 {
      %mul3A_280 = arith.constant 16 : i32
      %mul3A_281 = arith.muli %scan3A_278, %mul3A_280 : i32
      %get3A_282 = arith.index_cast %mul3A_281 : i32 to index
      %get3A_283 = tpu.vector_load %arg7[%get3A_282] {strides = array<i32>} : memref<20000xi32, #tpu.memory_space<vmem>>, vector<16xi32>,
      %gather3A_284 = tpu.vector_load_idx %arg11[%get3A_283] : memref<10000xf32, #tpu.memory_space<vmem>>[vector<16xi32>], vector<16xf32>,
      %swap3A_285 = arith.index_cast %mul3A_281 : i32 to index
      %swap3A_286 = tpu.vector_load %arg9[%swap3A_285] {strides = array<i32>} : memref<20000xf32, #tpu.memory_space<vmem>>, vector<16xf32>,
      tpu.vector_store %arg9[%swap3A_285], %gather3A_284 {strides = array<i32>} : memref<20000xf32, #tpu.memory_space<vmem>>, vector<16xf32>,
      %scan3A_287 = arith.constant 0 : i32
      %scan3A_288 = arith.constant 1 : i32
      %scan3A_289 = arith.addi %scan3A_278, %scan3A_288 : i32
      %mul3A_290 = arith.constant 16 : i32
      %mul3A_291 = arith.muli %scan3A_289, %mul3A_290 : i32
      %get3A_292 = arith.index_cast %mul3A_291 : i32 to index
      %get3A_293 = tpu.vector_load %arg7[%get3A_292] {strides = array<i32>} : memref<20000xi32, #tpu.memory_space<vmem>>, vector<16xi32>,
      %gather3A_294 = tpu.vector_load_idx %arg11[%get3A_293] : memref<10000xf32, #tpu.memory_space<vmem>>[vector<16xi32>], vector<16xf32>,
      %swap3A_295 = arith.index_cast %mul3A_291 : i32 to index
      %swap3A_296 = tpu.vector_load %arg9[%swap3A_295] {strides = array<i32>} : memref<20000xf32, #tpu.memory_space<vmem>>, vector<16xf32>,
      tpu.vector_store %arg9[%swap3A_295], %gather3A_294 {strides = array<i32>} : memref<20000xf32, #tpu.memory_space<vmem>>, vector<16xf32>,
      %scan3A_297 = arith.constant 0 : i32
      %scan3A_298 = arith.constant 2 : i32
      %scan3A_299 = arith.addi %scan3A_278, %scan3A_298 : i32
      %mul3A_300 = arith.constant 16 : i32
      %mul3A_301 = arith.muli %scan3A_299, %mul3A_300 : i32
      %get3A_302 = arith.index_cast %mul3A_301 : i32 to index
      %get3A_303 = tpu.vector_load %arg7[%get3A_302] {strides = array<i32>} : memref<20000xi32, #tpu.memory_space<vmem>>, vector<16xi32>,
      %gather3A_304 = tpu.vector_load_idx %arg11[%get3A_303] : memref<10000xf32, #tpu.memory_space<vmem>>[vector<16xi32>], vector<16xf32>,
      %swap3A_305 = arith.index_cast %mul3A_301 : i32 to index
      %swap3A_306 = tpu.vector_load %arg9[%swap3A_305] {strides = array<i32>} : memref<20000xf32, #tpu.memory_space<vmem>>, vector<16xf32>,
      tpu.vector_store %arg9[%swap3A_305], %gather3A_304 {strides = array<i32>} : memref<20000xf32, #tpu.memory_space<vmem>>, vector<16xf32>,
      %scan3A_307 = arith.constant 0 : i32
      %scan3A_308 = arith.constant 3 : i32
      %scan3A_309 = arith.addi %scan3A_278, %scan3A_308 : i32
      %mul3A_310 = arith.constant 16 : i32
      %mul3A_311 = arith.muli %scan3A_309, %mul3A_310 : i32
      %get3A_312 = arith.index_cast %mul3A_311 : i32 to index
      %get3A_313 = tpu.vector_load %arg7[%get3A_312] {strides = array<i32>} : memref<20000xi32, #tpu.memory_space<vmem>>, vector<16xi32>,
      %gather3A_314 = tpu.vector_load_idx %arg11[%get3A_313] : memref<10000xf32, #tpu.memory_space<vmem>>[vector<16xi32>], vector<16xf32>,
      %swap3A_315 = arith.index_cast %mul3A_311 : i32 to index
      %swap3A_316 = tpu.vector_load %arg9[%swap3A_315] {strides = array<i32>} : memref<20000xf32, #tpu.memory_space<vmem>>, vector<16xf32>,
      tpu.vector_store %arg9[%swap3A_315], %gather3A_314 {strides = array<i32>} : memref<20000xf32, #tpu.memory_space<vmem>>, vector<16xf32>,
      %scan3A_317 = arith.constant 0 : i32
      %scan3A_318 = arith.constant 4 : i32
      %scan3A_319 = arith.addi %scan3A_278, %scan3A_318 : i32
      %mul3A_320 = arith.constant 16 : i32
      %mul3A_321 = arith.muli %scan3A_319, %mul3A_320 : i32
      %get3A_322 = arith.index_cast %mul3A_321 : i32 to index
      %get3A_323 = tpu.vector_load %arg7[%get3A_322] {strides = array<i32>} : memref<20000xi32, #tpu.memory_space<vmem>>, vector<16xi32>,
      %gather3A_324 = tpu.vector_load_idx %arg11[%get3A_323] : memref<10000xf32, #tpu.memory_space<vmem>>[vector<16xi32>], vector<16xf32>,
      %swap3A_325 = arith.index_cast %mul3A_321 : i32 to index
      %swap3A_326 = tpu.vector_load %arg9[%swap3A_325] {strides = array<i32>} : memref<20000xf32, #tpu.memory_space<vmem>>, vector<16xf32>,
      tpu.vector_store %arg9[%swap3A_325], %gather3A_324 {strides = array<i32>} : memref<20000xf32, #tpu.memory_space<vmem>>, vector<16xf32>,
      %scan3A_327 = arith.constant 0 : i32
      scf.yield %scan3A_327 : i32
    }
    %scan3A_190 = arith.constant 250 : i32
    %dma_start3A_191 = arith.constant 12000 : i32
    %dma_start3A_192 = tpu.memref_slice %arg9[%dma_start3A_191] : memref<20000xf32, #tpu.memory_space<vmem>> -> memref<4000xf32, #tpu.memory_space<vmem>>
    %dma_start3A_193 = arith.constant 12000 : i32
    %dma_start3A_194 = tpu.memref_slice %arg8[%dma_start3A_193] : memref<20000xi32, #tpu.memory_space<vmem>> -> memref<4000xi32, #tpu.memory_space<vmem>>
    %dma_start3A_195 = arith.constant 0 : i32
    %dma_start3A_196 = tpu.memref_slice %arg18[%dma_start3A_195] : memref<330000xf32, #tpu.memory_space<vmem_shared>> -> memref<330000xf32, #tpu.memory_space<vmem_shared>>
    tpu.enqueue_indirect_dma source(%dma_start3A_192 : memref<4000xf32, #tpu.memory_space<vmem>>) target(%dma_start3A_196 : memref<330000xf32, #tpu.memory_space<vmem_shared>>) offsets(%dma_start3A_194 : memref<4000xi32, #tpu.memory_space<vmem>>) semaphore(%arg15 : memref<!tpu.dma_semaphore, #tpu.memory_space<semaphore_mem>>) {add = true}
    %scan3A_197 = arith.constant 0 : i32
    %scan3A_198 = arith.constant 1000 : i32
    %scan3A_199 = arith.constant 250 : i32
    %scan3A_200 = arith.addi %scan3A_198, %scan3A_199 : i32
    %scan3A_201 = arith.constant 5 : i32
    %scan3A_202 = scf.for %scan3A_278 = %scan3A_198 to %scan3A_200 step %scan3A_201 iter_args(%scan3A_279 = %scan3A_197) -> (i32)  : i32 {
      %mul3A_280 = arith.constant 16 : i32
      %mul3A_281 = arith.muli %scan3A_278, %mul3A_280 : i32
      %get3A_282 = arith.index_cast %mul3A_281 : i32 to index
      %get3A_283 = tpu.vector_load %arg7[%get3A_282] {strides = array<i32>} : memref<20000xi32, #tpu.memory_space<vmem>>, vector<16xi32>,
      %gather3A_284 = tpu.vector_load_idx %arg11[%get3A_283] : memref<10000xf32, #tpu.memory_space<vmem>>[vector<16xi32>], vector<16xf32>,
      %swap3A_285 = arith.index_cast %mul3A_281 : i32 to index
      %swap3A_286 = tpu.vector_load %arg9[%swap3A_285] {strides = array<i32>} : memref<20000xf32, #tpu.memory_space<vmem>>, vector<16xf32>,
      tpu.vector_store %arg9[%swap3A_285], %gather3A_284 {strides = array<i32>} : memref<20000xf32, #tpu.memory_space<vmem>>, vector<16xf32>,
      %scan3A_287 = arith.constant 0 : i32
      %scan3A_288 = arith.constant 1 : i32
      %scan3A_289 = arith.addi %scan3A_278, %scan3A_288 : i32
      %mul3A_290 = arith.constant 16 : i32
      %mul3A_291 = arith.muli %scan3A_289, %mul3A_290 : i32
      %get3A_292 = arith.index_cast %mul3A_291 : i32 to index
      %get3A_293 = tpu.vector_load %arg7[%get3A_292] {strides = array<i32>} : memref<20000xi32, #tpu.memory_space<vmem>>, vector<16xi32>,
      %gather3A_294 = tpu.vector_load_idx %arg11[%get3A_293] : memref<10000xf32, #tpu.memory_space<vmem>>[vector<16xi32>], vector<16xf32>,
      %swap3A_295 = arith.index_cast %mul3A_291 : i32 to index
      %swap3A_296 = tpu.vector_load %arg9[%swap3A_295] {strides = array<i32>} : memref<20000xf32, #tpu.memory_space<vmem>>, vector<16xf32>,
      tpu.vector_store %arg9[%swap3A_295], %gather3A_294 {strides = array<i32>} : memref<20000xf32, #tpu.memory_space<vmem>>, vector<16xf32>,
      %scan3A_297 = arith.constant 0 : i32
      %scan3A_298 = arith.constant 2 : i32
      %scan3A_299 = arith.addi %scan3A_278, %scan3A_298 : i32
      %mul3A_300 = arith.constant 16 : i32
      %mul3A_301 = arith.muli %scan3A_299, %mul3A_300 : i32
      %get3A_302 = arith.index_cast %mul3A_301 : i32 to index
      %get3A_303 = tpu.vector_load %arg7[%get3A_302] {strides = array<i32>} : memref<20000xi32, #tpu.memory_space<vmem>>, vector<16xi32>,
      %gather3A_304 = tpu.vector_load_idx %arg11[%get3A_303] : memref<10000xf32, #tpu.memory_space<vmem>>[vector<16xi32>], vector<16xf32>,
      %swap3A_305 = arith.index_cast %mul3A_301 : i32 to index
      %swap3A_306 = tpu.vector_load %arg9[%swap3A_305] {strides = array<i32>} : memref<20000xf32, #tpu.memory_space<vmem>>, vector<16xf32>,
      tpu.vector_store %arg9[%swap3A_305], %gather3A_304 {strides = array<i32>} : memref<20000xf32, #tpu.memory_space<vmem>>, vector<16xf32>,
      %scan3A_307 = arith.constant 0 : i32
      %scan3A_308 = arith.constant 3 : i32
      %scan3A_309 = arith.addi %scan3A_278, %scan3A_308 : i32
      %mul3A_310 = arith.constant 16 : i32
      %mul3A_311 = arith.muli %scan3A_309, %mul3A_310 : i32
      %get3A_312 = arith.index_cast %mul3A_311 : i32 to index
      %get3A_313 = tpu.vector_load %arg7[%get3A_312] {strides = array<i32>} : memref<20000xi32, #tpu.memory_space<vmem>>, vector<16xi32>,
      %gather3A_314 = tpu.vector_load_idx %arg11[%get3A_313] : memref<10000xf32, #tpu.memory_space<vmem>>[vector<16xi32>], vector<16xf32>,
      %swap3A_315 = arith.index_cast %mul3A_311 : i32 to index
      %swap3A_316 = tpu.vector_load %arg9[%swap3A_315] {strides = array<i32>} : memref<20000xf32, #tpu.memory_space<vmem>>, vector<16xf32>,
      tpu.vector_store %arg9[%swap3A_315], %gather3A_314 {strides = array<i32>} : memref<20000xf32, #tpu.memory_space<vmem>>, vector<16xf32>,
      %scan3A_317 = arith.constant 0 : i32
      %scan3A_318 = arith.constant 4 : i32
      %scan3A_319 = arith.addi %scan3A_278, %scan3A_318 : i32
      %mul3A_320 = arith.constant 16 : i32
      %mul3A_321 = arith.muli %scan3A_319, %mul3A_320 : i32
      %get3A_322 = arith.index_cast %mul3A_321 : i32 to index
      %get3A_323 = tpu.vector_load %arg7[%get3A_322] {strides = array<i32>} : memref<20000xi32, #tpu.memory_space<vmem>>, vector<16xi32>,
      %gather3A_324 = tpu.vector_load_idx %arg11[%get3A_323] : memref<10000xf32, #tpu.memory_space<vmem>>[vector<16xi32>], vector<16xf32>,
      %swap3A_325 = arith.index_cast %mul3A_321 : i32 to index
      %swap3A_326 = tpu.vector_load %arg9[%swap3A_325] {strides = array<i32>} : memref<20000xf32, #tpu.memory_space<vmem>>, vector<16xf32>,
      tpu.vector_store %arg9[%swap3A_325], %gather3A_324 {strides = array<i32>} : memref<20000xf32, #tpu.memory_space<vmem>>, vector<16xf32>,
      %scan3A_327 = arith.constant 0 : i32
      scf.yield %scan3A_327 : i32
    }
    %scan3A_203 = arith.constant 250 : i32
    %dma_start3A_204 = arith.constant 16000 : i32
    %dma_start3A_205 = tpu.memref_slice %arg9[%dma_start3A_204] : memref<20000xf32, #tpu.memory_space<vmem>> -> memref<4000xf32, #tpu.memory_space<vmem>>
    %dma_start3A_206 = arith.constant 16000 : i32
    %dma_start3A_207 = tpu.memref_slice %arg8[%dma_start3A_206] : memref<20000xi32, #tpu.memory_space<vmem>> -> memref<4000xi32, #tpu.memory_space<vmem>>
    %dma_start3A_208 = arith.constant 0 : i32
    %dma_start3A_209 = tpu.memref_slice %arg18[%dma_start3A_208] : memref<330000xf32, #tpu.memory_space<vmem_shared>> -> memref<330000xf32, #tpu.memory_space<vmem_shared>>
    tpu.enqueue_indirect_dma source(%dma_start3A_205 : memref<4000xf32, #tpu.memory_space<vmem>>) target(%dma_start3A_209 : memref<330000xf32, #tpu.memory_space<vmem_shared>>) offsets(%dma_start3A_207 : memref<4000xi32, #tpu.memory_space<vmem>>) semaphore(%arg15 : memref<!tpu.dma_semaphore, #tpu.memory_space<semaphore_mem>>) {add = true}
    %dma_wait3A_210 = arith.constant 0 : i32
    %dma_wait3A_211 = tpu.memref_slice %arg9[%dma_wait3A_210] : memref<20000xf32, #tpu.memory_space<vmem>> -> memref<4000xf32, #tpu.memory_space<vmem>>
    %dma_wait3A_212 = arith.constant 0 : i32
    %dma_wait3A_213 = tpu.memref_slice %arg8[%dma_wait3A_212] : memref<20000xi32, #tpu.memory_space<vmem>> -> memref<4000xi32, #tpu.memory_space<vmem>>
    %dma_wait3A_214 = arith.constant 0 : i32
    %dma_wait3A_215 = tpu.memref_slice %arg18[%dma_wait3A_214] : memref<330000xf32, #tpu.memory_space<vmem_shared>> -> memref<330000xf32, #tpu.memory_space<vmem_shared>>
    tpu.wait_indirect_dma semaphore(%arg15 : memref<!tpu.dma_semaphore, #tpu.memory_space<semaphore_mem>>) src(%dma_wait3A_211 : memref<4000xf32, #tpu.memory_space<vmem>>) dst(%dma_wait3A_215 : memref<330000xf32, #tpu.memory_space<vmem_shared>>)
    %dma_wait3A_216 = arith.constant 4000 : i32
    %dma_wait3A_217 = tpu.memref_slice %arg9[%dma_wait3A_216] : memref<20000xf32, #tpu.memory_space<vmem>> -> memref<4000xf32, #tpu.memory_space<vmem>>
    %dma_wait3A_218 = arith.constant 4000 : i32
    %dma_wait3A_219 = tpu.memref_slice %arg8[%dma_wait3A_218] : memref<20000xi32, #tpu.memory_space<vmem>> -> memref<4000xi32, #tpu.memory_space<vmem>>
    %dma_wait3A_220 = arith.constant 0 : i32
    %dma_wait3A_221 = tpu.memref_slice %arg18[%dma_wait3A_220] : memref<330000xf32, #tpu.memory_space<vmem_shared>> -> memref<330000xf32, #tpu.memory_space<vmem_shared>>
    tpu.wait_indirect_dma semaphore(%arg15 : memref<!tpu.dma_semaphore, #tpu.memory_space<semaphore_mem>>) src(%dma_wait3A_217 : memref<4000xf32, #tpu.memory_space<vmem>>) dst(%dma_wait3A_221 : memref<330000xf32, #tpu.memory_space<vmem_shared>>)
    %dma_wait3A_222 = arith.constant 8000 : i32
    %dma_wait3A_223 = tpu.memref_slice %arg9[%dma_wait3A_222] : memref<20000xf32, #tpu.memory_space<vmem>> -> memref<4000xf32, #tpu.memory_space<vmem>>
    %dma_wait3A_224 = arith.constant 8000 : i32
    %dma_wait3A_225 = tpu.memref_slice %arg8[%dma_wait3A_224] : memref<20000xi32, #tpu.memory_space<vmem>> -> memref<4000xi32, #tpu.memory_space<vmem>>
    %dma_wait3A_226 = arith.constant 0 : i32
    %dma_wait3A_227 = tpu.memref_slice %arg18[%dma_wait3A_226] : memref<330000xf32, #tpu.memory_space<vmem_shared>> -> memref<330000xf32, #tpu.memory_space<vmem_shared>>
    tpu.wait_indirect_dma semaphore(%arg15 : memref<!tpu.dma_semaphore, #tpu.memory_space<semaphore_mem>>) src(%dma_wait3A_223 : memref<4000xf32, #tpu.memory_space<vmem>>) dst(%dma_wait3A_227 : memref<330000xf32, #tpu.memory_space<vmem_shared>>)
    %dma_wait3A_228 = arith.constant 12000 : i32
    %dma_wait3A_229 = tpu.memref_slice %arg9[%dma_wait3A_228] : memref<20000xf32, #tpu.memory_space<vmem>> -> memref<4000xf32, #tpu.memory_space<vmem>>
    %dma_wait3A_230 = arith.constant 12000 : i32
    %dma_wait3A_231 = tpu.memref_slice %arg8[%dma_wait3A_230] : memref<20000xi32, #tpu.memory_space<vmem>> -> memref<4000xi32, #tpu.memory_space<vmem>>
    %dma_wait3A_232 = arith.constant 0 : i32
    %dma_wait3A_233 = tpu.memref_slice %arg18[%dma_wait3A_232] : memref<330000xf32, #tpu.memory_space<vmem_shared>> -> memref<330000xf32, #tpu.memory_space<vmem_shared>>
    tpu.wait_indirect_dma semaphore(%arg15 : memref<!tpu.dma_semaphore, #tpu.memory_space<semaphore_mem>>) src(%dma_wait3A_229 : memref<4000xf32, #tpu.memory_space<vmem>>) dst(%dma_wait3A_233 : memref<330000xf32, #tpu.memory_space<vmem_shared>>)
    %dma_wait3A_234 = arith.constant 16000 : i32
    %dma_wait3A_235 = tpu.memref_slice %arg9[%dma_wait3A_234] : memref<20000xf32, #tpu.memory_space<vmem>> -> memref<4000xf32, #tpu.memory_space<vmem>>
    %dma_wait3A_236 = arith.constant 16000 : i32
    %dma_wait3A_237 = tpu.memref_slice %arg8[%dma_wait3A_236] : memref<20000xi32, #tpu.memory_space<vmem>> -> memref<4000xi32, #tpu.memory_space<vmem>>
    %dma_wait3A_238 = arith.constant 0 : i32
    %dma_wait3A_239 = tpu.memref_slice %arg18[%dma_wait3A_238] : memref<330000xf32, #tpu.memory_space<vmem_shared>> -> memref<330000xf32, #tpu.memory_space<vmem_shared>>
    tpu.wait_indirect_dma semaphore(%arg15 : memref<!tpu.dma_semaphore, #tpu.memory_space<semaphore_mem>>) src(%dma_wait3A_235 : memref<4000xf32, #tpu.memory_space<vmem>>) dst(%dma_wait3A_239 : memref<330000xf32, #tpu.memory_space<vmem_shared>>)
    %barrier3A_240 = arith.constant 0 : index
    tpu.barrier barrier_id(%barrier3A_240)
    %mul3A_241 = arith.constant 320000 : i32
    %mul3A_242 = arith.muli %arg0, %mul3A_241 : i32
    %mul3A_243 = arith.constant 20000 : i32
    %mul3A_244 = arith.muli %arg1, %mul3A_243 : i32
    %add3A_245 = arith.addi %mul3A_242, %mul3A_244 : i32
    %mul3A_246 = arith.constant 20000 : i32
    %mul3A_247 = arith.muli %arg1, %mul3A_246 : i32
    "tpu.region"() ({
      %run_scoped3A = tpu.sem_alloc : memref<!tpu.dma_semaphore, #tpu.memory_space<semaphore_mem>>
      %dma_start3A_278 = arith.constant 0 : i32
      %dma_start3A_279 = tpu.memref_slice %arg9[%dma_start3A_278] : memref<20000xf32, #tpu.memory_space<vmem>> -> memref<10000xf32, #tpu.memory_space<vmem>>
      %dma_start3A_280 = tpu.memref_slice %arg18[%mul3A_247] : memref<330000xf32, #tpu.memory_space<vmem_shared>> -> memref<10000xf32, #tpu.memory_space<vmem_shared>>
      %dma_start3A_281 = arith.constant 0 : i32
      %dma_start3A_282 = tpu.memref_slice %arg9[%dma_start3A_281] : memref<20000xf32, #tpu.memory_space<vmem>> -> memref<10000xf32, #tpu.memory_space<vmem>>
      %dma_start3A_283 = tpu.memref_slice %arg18[%mul3A_247] : memref<330000xf32, #tpu.memory_space<vmem_shared>> -> memref<10000xf32, #tpu.memory_space<vmem_shared>>
      tpu.enqueue_dma source(%dma_start3A_283 : memref<10000xf32, #tpu.memory_space<vmem_shared>>) target(%dma_start3A_282 : memref<10000xf32, #tpu.memory_space<vmem>>) target_semaphore(%run_scoped3A : memref<!tpu.dma_semaphore, #tpu.memory_space<semaphore_mem>>)
      %dma_wait3A_284 = arith.constant 0 : i32
      %dma_wait3A_285 = tpu.memref_slice %arg9[%dma_wait3A_284] : memref<20000xf32, #tpu.memory_space<vmem>> -> memref<10000xf32, #tpu.memory_space<vmem>>
      %dma_wait3A_286 = tpu.memref_slice %arg18[%mul3A_247] : memref<330000xf32, #tpu.memory_space<vmem_shared>> -> memref<10000xf32, #tpu.memory_space<vmem_shared>>
      %dma_wait3A_287 = arith.constant 0 : i32
      %dma_wait3A_288 = tpu.memref_slice %arg9[%dma_wait3A_287] : memref<20000xf32, #tpu.memory_space<vmem>> -> memref<10000xf32, #tpu.memory_space<vmem>>
      %dma_wait3A_289 = tpu.memref_slice %arg18[%mul3A_247] : memref<330000xf32, #tpu.memory_space<vmem_shared>> -> memref<10000xf32, #tpu.memory_space<vmem_shared>>
      tpu.wait_dma2 semaphore(%run_scoped3A : memref<!tpu.dma_semaphore, #tpu.memory_space<semaphore_mem>>) src(%dma_wait3A_289 : memref<10000xf32, #tpu.memory_space<vmem_shared>>) dst(%dma_wait3A_288 : memref<10000xf32, #tpu.memory_space<vmem>>)
      tpu.yield
    }) : () -> ()
    %dma_start3A_248 = arith.constant 0 : i32
    %dma_start3A_249 = tpu.memref_slice %arg9[%dma_start3A_248] : memref<20000xf32, #tpu.memory_space<vmem>> -> memref<10000xf32, #tpu.memory_space<vmem>>
    %dma_start3A_250 = tpu.memref_slice %arg5[%add3A_245] : memref<640000xf32, #tpu.memory_space<hbm>> -> memref<10000xf32, #tpu.memory_space<hbm>>
    %dma_start3A_251 = tpu.memref_slice %arg5[%add3A_245] : memref<640000xf32, #tpu.memory_space<hbm>> -> memref<10000xf32, #tpu.memory_space<hbm>>
    %dma_start3A_252 = arith.constant 0 : i32
    %dma_start3A_253 = tpu.memref_slice %arg9[%dma_start3A_252] : memref<20000xf32, #tpu.memory_space<vmem>> -> memref<10000xf32, #tpu.memory_space<vmem>>
    tpu.enqueue_dma source(%dma_start3A_253 : memref<10000xf32, #tpu.memory_space<vmem>>) target(%dma_start3A_251 : memref<10000xf32, #tpu.memory_space<hbm>>) target_semaphore(%arg12 : memref<!tpu.dma_semaphore, #tpu.memory_space<semaphore_mem>>)
    %mul3A_254 = arith.constant 20000 : i32
    %mul3A_255 = arith.muli %arg1, %mul3A_254 : i32
    %add3A_256 = arith.constant 10000 : i32
    %add3A_257 = arith.addi %mul3A_255, %add3A_256 : i32
    "tpu.region"() ({
      %run_scoped3A = tpu.sem_alloc : memref<!tpu.dma_semaphore, #tpu.memory_space<semaphore_mem>>
      %dma_start3A_278 = arith.constant 10000 : i32
      %dma_start3A_279 = tpu.memref_slice %arg9[%dma_start3A_278] : memref<20000xf32, #tpu.memory_space<vmem>> -> memref<10000xf32, #tpu.memory_space<vmem>>
      %dma_start3A_280 = tpu.memref_slice %arg18[%add3A_257] : memref<330000xf32, #tpu.memory_space<vmem_shared>> -> memref<10000xf32, #tpu.memory_space<vmem_shared>>
      %dma_start3A_281 = arith.constant 10000 : i32
      %dma_start3A_282 = tpu.memref_slice %arg9[%dma_start3A_281] : memref<20000xf32, #tpu.memory_space<vmem>> -> memref<10000xf32, #tpu.memory_space<vmem>>
      %dma_start3A_283 = tpu.memref_slice %arg18[%add3A_257] : memref<330000xf32, #tpu.memory_space<vmem_shared>> -> memref<10000xf32, #tpu.memory_space<vmem_shared>>
      tpu.enqueue_dma source(%dma_start3A_283 : memref<10000xf32, #tpu.memory_space<vmem_shared>>) target(%dma_start3A_282 : memref<10000xf32, #tpu.memory_space<vmem>>) target_semaphore(%run_scoped3A : memref<!tpu.dma_semaphore, #tpu.memory_space<semaphore_mem>>)
      %dma_wait3A_284 = arith.constant 10000 : i32
      %dma_wait3A_285 = tpu.memref_slice %arg9[%dma_wait3A_284] : memref<20000xf32, #tpu.memory_space<vmem>> -> memref<10000xf32, #tpu.memory_space<vmem>>
      %dma_wait3A_286 = tpu.memref_slice %arg18[%add3A_257] : memref<330000xf32, #tpu.memory_space<vmem_shared>> -> memref<10000xf32, #tpu.memory_space<vmem_shared>>
      %dma_wait3A_287 = arith.constant 10000 : i32
      %dma_wait3A_288 = tpu.memref_slice %arg9[%dma_wait3A_287] : memref<20000xf32, #tpu.memory_space<vmem>> -> memref<10000xf32, #tpu.memory_space<vmem>>
      %dma_wait3A_289 = tpu.memref_slice %arg18[%add3A_257] : memref<330000xf32, #tpu.memory_space<vmem_shared>> -> memref<10000xf32, #tpu.memory_space<vmem_shared>>
      tpu.wait_dma2 semaphore(%run_scoped3A : memref<!tpu.dma_semaphore, #tpu.memory_space<semaphore_mem>>) src(%dma_wait3A_289 : memref<10000xf32, #tpu.memory_space<vmem_shared>>) dst(%dma_wait3A_288 : memref<10000xf32, #tpu.memory_space<vmem>>)
      tpu.yield
    }) : () -> ()
    %add3A_258 = arith.constant 10000 : i32
    %add3A_259 = arith.addi %add3A_245, %add3A_258 : i32
    %dma_start3A_260 = arith.constant 10000 : i32
    %dma_start3A_261 = tpu.memref_slice %arg9[%dma_start3A_260] : memref<20000xf32, #tpu.memory_space<vmem>> -> memref<10000xf32, #tpu.memory_space<vmem>>
    %dma_start3A_262 = tpu.memref_slice %arg5[%add3A_259] : memref<640000xf32, #tpu.memory_space<hbm>> -> memref<10000xf32, #tpu.memory_space<hbm>>
    %dma_start3A_263 = tpu.memref_slice %arg5[%add3A_259] : memref<640000xf32, #tpu.memory_space<hbm>> -> memref<10000xf32, #tpu.memory_space<hbm>>
    %dma_start3A_264 = arith.constant 10000 : i32
    %dma_start3A_265 = tpu.memref_slice %arg9[%dma_start3A_264] : memref<20000xf32, #tpu.memory_space<vmem>> -> memref<10000xf32, #tpu.memory_space<vmem>>
    tpu.enqueue_dma source(%dma_start3A_265 : memref<10000xf32, #tpu.memory_space<vmem>>) target(%dma_start3A_263 : memref<10000xf32, #tpu.memory_space<hbm>>) target_semaphore(%arg13 : memref<!tpu.dma_semaphore, #tpu.memory_space<semaphore_mem>>)
    %dma_wait3A_266 = arith.constant 0 : i32
    %dma_wait3A_267 = tpu.memref_slice %arg9[%dma_wait3A_266] : memref<20000xf32, #tpu.memory_space<vmem>> -> memref<10000xf32, #tpu.memory_space<vmem>>
    %dma_wait3A_268 = tpu.memref_slice %arg5[%add3A_245] : memref<640000xf32, #tpu.memory_space<hbm>> -> memref<10000xf32, #tpu.memory_space<hbm>>
    %dma_wait3A_269 = tpu.memref_slice %arg5[%add3A_245] : memref<640000xf32, #tpu.memory_space<hbm>> -> memref<10000xf32, #tpu.memory_space<hbm>>
    %dma_wait3A_270 = arith.constant 0 : i32
    %dma_wait3A_271 = tpu.memref_slice %arg9[%dma_wait3A_270] : memref<20000xf32, #tpu.memory_space<vmem>> -> memref<10000xf32, #tpu.memory_space<vmem>>
    tpu.wait_dma2 semaphore(%arg12 : memref<!tpu.dma_semaphore, #tpu.memory_space<semaphore_mem>>) src(%dma_wait3A_271 : memref<10000xf32, #tpu.memory_space<vmem>>) dst(%dma_wait3A_269 : memref<10000xf32, #tpu.memory_space<hbm>>)
    %dma_wait3A_272 = arith.constant 10000 : i32
    %dma_wait3A_273 = tpu.memref_slice %arg9[%dma_wait3A_272] : memref<20000xf32, #tpu.memory_space<vmem>> -> memref<10000xf32, #tpu.memory_space<vmem>>
    %dma_wait3A_274 = tpu.memref_slice %arg5[%add3A_259] : memref<640000xf32, #tpu.memory_space<hbm>> -> memref<10000xf32, #tpu.memory_space<hbm>>
    %dma_wait3A_275 = tpu.memref_slice %arg5[%add3A_259] : memref<640000xf32, #tpu.memory_space<hbm>> -> memref<10000xf32, #tpu.memory_space<hbm>>
    %dma_wait3A_276 = arith.constant 10000 : i32
    %dma_wait3A_277 = tpu.memref_slice %arg9[%dma_wait3A_276] : memref<20000xf32, #tpu.memory_space<vmem>> -> memref<10000xf32, #tpu.memory_space<vmem>>
    tpu.wait_dma2 semaphore(%arg13 : memref<!tpu.dma_semaphore, #tpu.memory_space<semaphore_mem>>) src(%dma_wait3A_277 : memref<10000xf32, #tpu.memory_space<vmem>>) dst(%dma_wait3A_275 : memref<10000xf32, #tpu.memory_space<hbm>>)
    return
  }
}

</mosaic_0001>

<sc_bundles>
// kernel: sage_edge_pool_sc.3.cloned.1.call-start
scs
__scs_entry_jumppad:
0x0: {  	(pc) =	sbr.rel $0x88, $3  }
0x1: {  	(tag) =	ssettag $0x0;
	lr =	simm.s32 $0x1  }
0x2: {  	[smem:$0x3F9E] =	sst lr;
	_ =	strace $0xD0000000  }
0x3: {  	_ = 	snop  }
0x4: {  	_ = 	snop  }
0x5: {  	_ = 	snop  }
0x6: {  	_ = 	snop  }
0x7: {  	_ = 	snop  }
__scs_overlays_trampoline_lowered:
0x8: {  	[smem:$0x3FAD] =	sst s0  }
0x9: {  	[smem:$0x3FAE] =	sst s1  }
0xa: {  	[smem:$0x3FAF] =	sst s2  }
0xb: {  	[smem:$0x3FB0] =	sst s3  }
0xc: {  	[smem:$0x3FB1] =	sst s4  }
0xd: {  	[smem:$0x3FB2] =	sst s5  }
0xe: {  	[smem:$0x3FB3] =	sst s6  }
0xf: {  	[smem:$0x3FB4] =	sst s7  }
0x10: {  	[smem:$0x3FB5] =	sst s8  }
0x11: {  	[smem:$0x3FB6] =	sst s9;
	s0 =	simm.s32 @!p0 $0x0  }
0x12: {  	s1 =	sld [smem:$0x3F9C];
	s0 =	simm.s32 @p0 $0x1  }
0x13: {  	[smem:$0x3FB7] =	sst s0;
	s0 =	simm.s32 @!p1 $0x0  }
0x14: {  	s2 =	sld [smem:$0x3F9B];
	s0 =	simm.s32 @p1 $0x1  }
0x15: {  	[smem:$0x3FB8] =	sst s0;
	s0 =	simm.s32 @!p2 $0x0  }
0x16: {  	s3 =	sld [smem:$0x3FDB];
	s0 =	simm.s32 @p2 $0x1  }
0x17: {  	s4 =	simm.s32 $0x1BF5;
	[smem:$0x3FBA] =	sst s0  }
0x18: {  	s0 =	sld [smem:$0x3F9D];
	_ =	swait.ge [sflag:s4], $0x0  }
0x19: {  	s7 =	sld [smem:$0x3F9E]  }
0x1a: {  	s8 =	sadd.s32 $0xFFFFE003, lr  }
0x1b: {  	s9 =	sadd.s32 $0xFFFFFEF7, lr;
	s5 =	simm.s32 $0xFFFFFFFF;
	p2 =	slt.u32 s8, $0xFFFFF086  }
0x1c: {  	p1 =	slt.u32 s9, $0xF7A;
	s5 =	simm.s32 @!p2 $0x0  }
0x1d: {  	s5 =	simm.s32 @p1 $0x1;
	p0 =	seq.s32 s7, s2  }
0x1e: {  	s7 =	smul.u32 @!p0 $0xF7A, s2;
	p2 =	seq.s32 @!p0 s5, $0x0  }
0x1f: {  	s9 =	smul.u32 $0xF7A, s1;
	s8 =	simm.s32 @!p0 $0x1BF5;
	p2 =	por !p2, p0  }
0x20: {  	[sflag:s8] =	ssyncset.s32 @!p0 $0xFFFFF086;
	s6 =	sadd.s32 @!p0 s3, s7;
	s7 =	simm.s32 @!p0 $0x108  }
0x21: {  	s3 =	sadd.s32 s3, s9;
	s6 =	sadd.s32 @!p0 $0x88, s6;
	s7 =	simm.s32 @p2 $0x1082  }
0x22: {  	[simem:s7], [sflag:s8] =	dma.local @!p0 [hbm:s6], $0xF7A  }
0x23: {  	s9 =	sor.u32 $0xD0000000, s2;
	s6 =	simm.s32 $0x108;
	_ =	swait.ge @!p0 [sflag:s8], $0x0  }
0x24: {  	s3 =	sadd.s32 $0x88, s3;
	s6 =	simm.s32 @!p1 $0x1082;
	[sflag:s4] =	ssyncset.s32 $0xFFFFF086  }
0x25: {  	[simem:s6], [sflag:s4] =	dma.local [hbm:s3], $0xF7A  }
0x26: {  	[smem:$0x3F9E] =	sst s1;
	(tag) =	ssettag s2;
	_ =	strace s9  }
0x27: {  	s1 =	sld [smem:$0x3FAE]  }
0x28: {  	s2 =	sld [smem:$0x3FAF]  }
0x29: {  	s4 =	sld [smem:$0x3FB1]  }
0x2a: {  	p0 =	seq.s32 s5, $0x0;
	s5 =	sld [smem:$0x3FB2]  }
0x2b: {  	s6 =	sld [smem:$0x3FB3]  }
0x2c: {  	s7 =	sld [smem:$0x3FB4]  }
0x2d: {  	s3 =	simm.s32 $0x108;
	s8 =	sld [smem:$0x3FB5]  }
0x2e: {  	s3 =	simm.s32 @!p0 $0x1082;
	s9 =	sld [smem:$0x3FB6]  }
0x2f: {  	lr =	sadd.s32 s0, s3;
	s0 =	sld [smem:$0x3FAD]  }
0x30: {  	s3 =	sld [smem:$0x3FB0]  }
0x31: {  	[smem:$0x3FB9] =	sst s10  }
0x32: {  	s10 =	sld [smem:$0x3FB7];
	_ =	sdelay $0x3  }
0x33: {  	p0 =	seq.s32 s10, $0x1;
	s10 =	sld [smem:$0x3FB9];
	_ =	sdelay $0x3  }
0x34: {  	[smem:$0x3FB9] =	sst s10  }
0x35: {  	s10 =	sld [smem:$0x3FB8];
	_ =	sdelay $0x3  }
0x36: {  	p1 =	seq.s32 s10, $0x1;
	s10 =	sld [smem:$0x3FB9];
	_ =	sdelay $0x3  }
0x37: {  	[smem:$0x3FB9] =	sst s10  }
0x38: {  	s10 =	sld [smem:$0x3FBA]  }
0x39: {  	_ = 	snop;
	(pc) =	sbr.ind lr, $3  }
0x3a: {  	_ = 	snop  }
0x3b: {  	_ = 	snop  }
0x3c: {  	p2 =	seq.s32 s10, $0x1;
	s10 =	sld [smem:$0x3FB9]  }
0x3d: {  	_ =	shalt  }
0x3e: {  	_ =	shalt  }
0x3f: {  	_ =	shalt  }
0x40: {  	_ =	shalt  }
0x41: {  	_ =	shalt  }
0x42: {  	_ =	shalt  }
0x43: {  	_ =	shalt  }
0x44: {  	_ =	shalt  }
0x45: {  	_ =	shalt  }
0x46: {  	_ =	shalt  }
0x47: {  	_ =	shalt  }
0x48: {  	_ =	shalt  }
0x49: {  	_ =	shalt  }
0x4a: {  	_ =	shalt  }
0x4b: {  	_ =	shalt  }
0x4c: {  	_ =	shalt  }
0x4d: {  	_ =	shalt  }
0x4e: {  	_ =	shalt  }
0x4f: {  	_ =	shalt  }
0x50: {  	_ =	shalt  }
0x51: {  	_ =	shalt  }
0x52: {  	_ =	shalt  }
0x53: {  	_ =	shalt  }
0x54: {  	_ =	shalt  }
0x55: {  	_ =	shalt  }
0x56: {  	_ =	shalt  }
0x57: {  	_ =	shalt  }
0x58: {  	_ =	shalt  }
0x59: {  	_ =	shalt  }
0x5a: {  	_ =	shalt  }
0x5b: {  	_ =	shalt  }
0x5c: {  	_ =	shalt  }
0x5d: {  	_ =	shalt  }
0x5e: {  	_ =	shalt  }
0x5f: {  	_ =	shalt  }
0x60: {  	_ =	shalt  }
0x61: {  	_ =	shalt  }
0x62: {  	_ =	shalt  }
0x63: {  	_ =	shalt  }
0x64: {  	_ =	shalt  }
0x65: {  	_ =	shalt  }
0x66: {  	_ =	shalt  }
0x67: {  	_ =	shalt  }
0x68: {  	_ =	shalt  }
0x69: {  	_ =	shalt  }
0x6a: {  	_ =	shalt  }
0x6b: {  	_ =	shalt  }
0x6c: {  	_ =	shalt  }
0x6d: {  	_ =	shalt  }
0x6e: {  	_ =	shalt  }
0x6f: {  	_ =	shalt  }
0x70: {  	_ =	shalt  }
0x71: {  	_ =	shalt  }
0x72: {  	_ =	shalt  }
0x73: {  	_ =	shalt  }
0x74: {  	_ =	shalt  }
0x75: {  	_ =	shalt  }
0x76: {  	_ =	shalt  }
0x77: {  	_ =	shalt  }
0x78: {  	_ =	shalt  }
0x79: {  	_ =	shalt  }
0x7a: {  	_ =	shalt  }
0x7b: {  	_ =	shalt  }
0x7c: {  	_ =	shalt  }
0x7d: {  	_ =	shalt  }
0x7e: {  	_ =	shalt  }
0x7f: {  	_ =	shalt  }
0x80: {  	_ =	shalt  }
0x81: {  	_ =	shalt  }
0x82: {  	_ =	shalt  }
0x83: {  	_ =	shalt  }
0x84: {  	_ =	shalt  }
0x85: {  	_ =	shalt  }
0x86: {  	_ =	shalt  }
0x87: {  	_ =	shalt  }
.Lfunc_end0:
.L_simem_size_0:
called_computation_lowered:
.L_overlay_start_0:
0x88: {  	s2 =	sld [smem:$0x3FD9]  }
0x89: {  	s3 =	sld [smem:$0x3FFE];
	_ =	sdelay $0x1  }
0x8a: {  	s1 =	srdreg.scid  }
0x8b: {  	s0 =	sand.u32 $0x1, s1  }
0x8c: {  	s18 =	sshll.u32 s0, $0xA;
	s2 =	sadd.s32 s3, s2  }
0x8d: {  	s2 =	sadd.s32 s2, s18  }
0x8e: {  	[smem:$0x3FC5] =	sst s2  }
0x8f: {  	_ = 	snop  }
0x90: {  	s2 =	sld [smem:$0x3FC9]  }
0x91: {  	s19 =	sld [smem:$0x3FC8]  }
0x92: {  	s4 =	sld [smem:$0x3FC7]  }
0x93: {  	s5 =	sld [smem:$0x3FD0];
	(tm) =	ssettm $0x1  }
0x94: {  	s6 =	sld [smem:$0x3FFB];
	_ =	sdelay $0x3  }
0x95: {  	_ =	strace s6  }
0x96: {  	s6 =	sld [smem:$0x3FFC];
	_ =	sdelay $0x3  }
0x97: {  	_ =	strace s6  }
0x98: {  	s6 =	sld [smem:$0x3FFD];
	_ =	sdelay $0x3  }
0x99: {  	_ =	strace s6  }
0x9a: {  	_ =	strace $0x8FFFFFFF  }
0x9b: {  	s20 =	sld [smem:$0x3FDB];
	_ =	sdelay $0x1  }
0x9c: {  	s7 =	simm.s32 $_scs_section_size  }
0x9d: {  	s8 =	simm.s32 $_size__tile_overlayer_lowered;
	s9 =	simm.s32 $_tile_overlayer_lowered  }
0x9e: {  	s23 =	simm.s32 $0x1BFF;
	s22 =	sshll.u32 s9, $0x1;
	s6 =	sadd.s32 s7, s20  }
0x9f: {  	s10 =	simm.s32 $0x0;
	s21 =	sshll.u32 s8, $0x1;
	s8 =	sadd.s32 s22, s6  }
0xa0: {  	[timem:s10], [sflag:s23] =	dma.local [hbm:s8], s21  }
0xa1: {  	_ =	swait.ge [sflag:s23], s21  }
0xa2: {  	s7 =	ssub.s32 $0x0, s21;
	[sflag:s23] =	ssyncset.done $0x0  }
0xa3: {  	[sflag:s23] =	ssyncadd.s32 s7;
	_ =	sdelay $0x1  }
0xa4: {  	s24 =	simm.s32 $0x1B8B  }
0xa5: {  	_ =	swait.ge [sflag:s24], $0x1  }
0xa6: {  	[sflag:s24] =	ssyncset.done $0x0  }
0xa7: {  	s25 =	simm.s32 $0x1B8E;
	[sflag:s24] =	ssyncadd.s32 $0xFFFFFFFF  }
0xa8: {  	s26 =	simm.s32 $execute0_lowered;
	[smem:$0x3FD2] =	sst s25  }
0xa9: {  	s7 =	sshll.u32 s26, $0x1;
	_ =	strace $0x80000046;
	[dreg:$0x1] =	wrdreg $0xFFFFFFFF  }
0xaa: {  	s28 =	simm.s32 $_size_execute0_lowered;
	s6 =	sadd.s32 s6, s7;
	[dreg:$0x0] =	wrdreg $0x0  }
0xab: {  	s7 =	sshll.u32 s28, $0x1;
	[dreg:$0x2] =	wrdreg s6  }
0xac: {  	[dreg:$0x3] =	wrdreg s7  }
0xad: {  	[dreg:$0x4] =	wrdreg $0xC0  }
0xae: {  	_ =	task [dreg:s10], $0x5FFFF  }
0xaf: {  	[dreg:$0x1] =	wrdreg $0xFFFFFFFF  }
0xb0: {  	[dreg:$0x0] =	wrdreg $0x60  }
0xb1: {  	[dreg:$0x2] =	wrdreg s2  }
0xb2: {  	[dreg:$0x3] =	wrdreg s19  }
0xb3: {  	[dreg:$0x4] =	wrdreg s4  }
0xb4: {  	[dreg:$0x5] =	wrdreg s5  }
0xb5: {  	[dreg:$0x6] =	wrdreg $0x18B780  }
0xb6: {  	[dreg:$0x7] =	wrdreg $0x189000  }
0xb7: {  	[dreg:$0x8] =	wrdreg $0x9  }
0xb8: {  	_ =	task.clear_ibuf [dreg:s10], $0x9FFFF;
	_ =	strace $0x90000046  }
0xb9: {  	s29 =	simm.s32 $0x9;
	_ =	strace $0x80000048  }
0xba: {  	_ =	swait.ge [sflag:s29], $0x1  }
0xbb: {  	[sflag:s29] =	ssyncadd.s32 $0xFFFFFFFF  }
0xbc: {  	_ =	strace $0x90000048  }
0xbd: {  	_ =	sfence  }
0xbe: {  	s30 =	sld [smem:$0x0];
	_ =	sdelay $0x2  }
0xbf: {  	s31 =	sshll.u32 s1, $0xD;
	s1 =	sshrl.u32 s1, $0x2  }
0xc0: {  	s3 =	sand.u32 $0x4000, s31;
	s1 =	sadd.s32 s1, s30  }
0xc1: {  	s0 =	sor.u32 s3, s0;
	s1 =	sshll.u32 s1, $0x11  }
0xc2: {  	s0 =	sor.u32 s1, s0  }
0xc3: {  	s0 =	sadd.s32 $0x8F2B, s0  }
0xc4: {  	[sflag:s0] =	ssyncadd.remote.s32 $0x1  }
0xc5: {  	_ =	sfence.sel $0xFFFF  }
0xc6: {  	[dreg:$0x0] =	wrdreg $0xFFFFFFFF;
	(pc) =	sbr.abs _section_cstart, $3  }
0xc7: {  	[dreg:$0x1] =	wrdreg $0xFFFFFFFF  }
0xc8: {  	_ =	task.clear_ibuf [dreg:s10], $0x2FFFF;
	_ =	strace $0x9FFFFFFF  }
0xc9: {  	(tm) =	ssettm $0x7FFFFFFF  }
tec
execute0_lowered:
.L_overlay_start_1:
0x0: {  	(tag) =	ssettag $0x1  }
0x1: {  	s0 =	rddreg [dreg:$0x0]  }
0x2: {  	s1 =	rddreg [dreg:$0x1]  }
0x3: {  	s9 =	rddreg [dreg:$0x3]  }
0x4: {  	s2 =	rddreg [dreg:$0x4]  }
0x5: {  	s3 =	rddreg [dreg:$0x5];
	s5 =	srdreg.scid  }
0x6: {  	s14 =	stileid.u32;
	s4 =	simm.s32 $0x0;
	s12 =	simm.s32 $0x4E80  }
0x7: {  	s13 =	simm.s32 $0x13A00;
	s15 =	simm.s32 $0x5;
	s16 =	simm.s32 $0x2  }
0x8: {  	s18 =	simm.s32 $0xEB80;
	s19 =	simm.s32 $0x3;
	s20 =	simm.s32 $0x1  }
0x9: {  	s21 =	simm.s32 $0x4;
	s22 =	simm.s32 $0x6;
	s23 =	simm.s32 $0xFA0  }
0xa: {  	s30 =	simm.s32 $0xCBE0;
	s31 =	simm.s32 $0x11A60;
	s17 =	simm.s32 $0x11290  }
0xb: {  	s24 =	simm.s32 $0x0;
	s10 =	sand.u32 $0x1, s5;
	s6 =	smul.u32 $0x4E20, s14  }
0xc: {  	[smem:$0x7FF] =	sst s4;
	p0 =	sne.s32 s14, $0x0;
	s14 =	simm.s32 $0x16180  }
0xd: {  	s5 =	ssub.s32 $0x2, s10;
	s7 =	smul.u32 $0x4E200, s10;
	_ =	strace $0x80000047  }
0xe: {  	s29 =	sshll.u32 s10, $0x5;
	s8 =	sshrl.u32 s5, $0x1;
	s26 =	sshrl.u32 s6, $0x3  }
0xf: {  	s11 =	ssub.s32 s5, s8;
	s7 =	sadd.s32 s6, s7;
	s5 =	sadd.s32 s0, s26  }
0x10: {  	s6 =	sadd.s32 s6, s2;
	s0 =	simm.s32 $0xDB80;
	s28 =	sshrl.u32 s7, $0x3  }
0x11: {  	s7 =	sadd.s32 s1, s26;
	s8 =	sadd.s32 $0x2710, s6;
	s9 =	sadd.s32 s9, s28  }
0x12: {  	v1 =	vimm.f32 $0.0e+00;
	v2 =	vimm.f32 $1.000000000e+00;
	v0 =	vmov s29;
	s11 =	smax.u32 s11, $0x1;
	s1 =	simm.s32 $0x12A00;
	s10 =	sadd.s32 $0x4E2, s9  }
.LBB2_1:
0x13: {  	[tilespmem:s4], [sflag:$0x1] =	stream.linear.gather [hbm4b:s5+s4], $0x4E20, $0x38;
	[tilespmem:$0x1DC10] =	vst v63  }
0x14: {  	_ = 	snop  }
0x15: {  	[tilespmem:s12], [sflag:$0x2] =	stream.linear.gather [hbm4b:s7+s4], $0x4E20, $0x38;
	[tilespmem:$0x1DC10] =	vst v63  }
0x16: {  	s25 =	rddreg [dreg:$0x2]  }
0x17: {  	[tilespmem:s13], [sflag:$0x3] =	stream.linear.gather [hbm4b:s25+s4], $0x2780, $0x38;
	[tilespmem:$0x1DC10] =	vst v63  }
0x18: {  	s25 =	simm.s32 $0x161C0  }
0x19: {  	[tilespmem:s25+$0xFFFFFFC0] =	vst v1  }
0x1a: {  	[tilespmem:s25+$0x30] =	vst v1  }
0x1b: {  	[tilespmem:s25+$0x20] =	vst v1  }
0x1c: {  	[tilespmem:s25+$0x10] =	vst v1  }
0x1d: {  	[tilespmem:s25+$0x0] =	vst v1  }
0x1e: {  	[tilespmem:s25+$0xFFFFFFF0] =	vst v1  }
0x1f: {  	s26 =	simm.s32 $0x0;
	[tilespmem:s25+$0xFFFFFFE0] =	vst v1  }
.LBB2_2:
0x20: {  	s26 =	sadd.s32 $0x8, s26;
	[tilespmem:s25+$0xFFFFFFD0] =	vst v1;
	s25 =	sadd.s32 $0x80, s25  }
0x21: {  	[tilespmem:s25+$0xFFFFFFC0] =	vst v1;
	p1 =	slt.u32 s26, $0x268  }
0x22: {  	[tilespmem:s25+$0x30] =	vst v1  }
.Ltmp0:
0x23: {  	[tilespmem:s25+$0x20] =	vst v1;
	(pc) =	sbr.rel @p1 .LBB2_2-.Ltmp0, $4  }
0x24: {  	[tilespmem:s25+$0x10] =	vst v1  }
0x25: {  	[tilespmem:s25+$0x0] =	vst v1  }
0x26: {  	[tilespmem:s25+$0xFFFFFFF0] =	vst v1  }
0x27: {  	[tilespmem:s25+$0xFFFFFFE0] =	vst v1  }
0x28: {  	[tilespmem:s25+$0xFFFFFFD0] =	vst v1  }
0x29: {  	[tilespmem:$0x18880] =	vst v1  }
0x2a: {  	[spmem:s6] =	stream.linear.scatter [tilespmem:s14], [sflag:$0x5], $0x2710, $0x38;
	[tilespmem:$0x1DC10] =	vst v63  }
0x2b: {  	_ = 	snop  }
0x2c: {  	[spmem:s8] =	stream.linear.scatter [tilespmem:s14], [sflag:$0x5], $0x2710, $0x38;
	[tilespmem:$0x1DC10] =	vst v63  }
0x2d: {  	s25 =	simm.s32 @!p0 $0x16180  }
0x2e: {  	[spmem:s3] =	stream.linear.scatter @!p0 [tilespmem:s25], [sflag:$0x6], $0x2780, $0x38;
	[tilespmem:$0x1DC10] =	vst v63  }
0x2f: {  	s25 =	simm.s32 @!p0 $0x6  }
0x30: {  	_ =	swait.ge @!p0 [sflag:s25], $0x2780  }
0x31: {  	[sflag:s25] =	ssyncset.done @!p0 $0x0  }
0x32: {  	[sflag:s25] =	ssyncadd.s32 @!p0 $0xFFFFD880;
	s25 =	simm.s32 $0xEBC0  }
0x33: {  	[tilespmem:s25+$0xFFFFFFC0] =	vst v2  }
0x34: {  	[tilespmem:s25+$0x30] =	vst v2  }
0x35: {  	[tilespmem:s25+$0x20] =	vst v2  }
0x36: {  	[tilespmem:s25+$0x10] =	vst v2  }
0x37: {  	[tilespmem:s25+$0x0] =	vst v2  }
0x38: {  	[tilespmem:s25+$0xFFFFFFF0] =	vst v2  }
0x39: {  	s26 =	simm.s32 $0x0;
	[tilespmem:s25+$0xFFFFFFE0] =	vst v2  }
.LBB2_4:
0x3a: {  	s26 =	sadd.s32 $0x8, s26;
	[tilespmem:s25+$0xFFFFFFD0] =	vst v2;
	s25 =	sadd.s32 $0x80, s25  }
0x3b: {  	[tilespmem:s25+$0xFFFFFFC0] =	vst v2;
	p1 =	slt.u32 s26, $0x4D8  }
0x3c: {  	[tilespmem:s25+$0x30] =	vst v2  }
.Ltmp1:
0x3d: {  	[tilespmem:s25+$0x20] =	vst v2;
	(pc) =	sbr.rel @p1 .LBB2_4-.Ltmp1, $4  }
0x3e: {  	[tilespmem:s25+$0x10] =	vst v2  }
0x3f: {  	[tilespmem:s25+$0x0] =	vst v2  }
0x40: {  	[tilespmem:s25+$0xFFFFFFF0] =	vst v2  }
0x41: {  	[tilespmem:s25+$0xFFFFFFE0] =	vst v2  }
0x42: {  	[tilespmem:s25+$0xFFFFFFD0] =	vst v2  }
0x43: {  	[tilespmem:$0x13980] =	vst v2  }
0x44: {  	[tilespmem:$0x13990] =	vst v2  }
0x45: {  	_ =	swait.ge [sflag:s15], $0x2710  }
0x46: {  	[sflag:s15] =	ssyncset.done $0x0  }
0x47: {  	[sflag:s15] =	ssyncadd.s32 $0xFFFFD8F0  }
0x48: {  	_ =	swait.ge [sflag:s15], $0x2710  }
0x49: {  	[sflag:s15] =	ssyncset.done $0x0  }
0x4a: {  	[sflag:s15] =	ssyncadd.s32 $0xFFFFD8F0  }
0x4b: {  	_ =	swait.ge [sflag:s16], $0x4E20  }
0x4c: {  	[sflag:s16] =	ssyncset.done $0x0  }
0x4d: {  	[sflag:s16] =	ssyncadd.s32 $0xFFFFB1E0  }
0x4e: {  	s29 =	simm.s32 $0x4E20;
	[bflag:$0x0] =	sbarrier.arrive $0xFFFF  }
0x4f: {  	[spmem:s3] =	stream.indirect.scatter.add.f32 [tilespmem:s18], [sflag:$0x4], $0x1, s12, s29, $0xb8;
	[tilespmem:$0x1DC10] =	vst v63  }
0x50: {  	_ =	swait.ge [sflag:s19], $0x2780  }
0x51: {  	[sflag:s19] =	ssyncset.done $0x0  }
0x52: {  	s25 =	simm.s32 $0x13A40;
	[sflag:s19] =	ssyncadd.s32 $0xFFFFD880  }
0x53: {  	v3 =	vld [tilespmem:s25+$0xFFFFFFC0]  }
0x54: {  	v4 =	vld [tilespmem:s25+$0xFFFFFFD0];
	_ =	sdelay $0x2  }
0x55: {  	v5 =	vld [tilespmem:s25+$0xFFFFFFE0]  }
0x56: {  	v7 =	vld [tilespmem:s25+$0x0]  }
0x57: {  	v9 =	vld [tilespmem:s25+$0x10];
	v3 =	vsub.s32 v3, v0;
	v4 =	vsub.s32 v4, v0  }
0x58: {  	v6 =	vmin.u32 v3, $0x20;
	v3 =	vld [tilespmem:s25+$0x20];
	v4 =	vmin.u32 v4, $0x20  }
0x59: {  	v8 =	vmul.u32 $0x2710, v6;
	v6 =	vmul.u32 $0x2710, v4;
	v4 =	vld [tilespmem:s25+$0x30]  }
0x5a: {  	v10 =	vsub.s32 v5, v0;
	v5 =	vld [tilespmem:s25+$0xFFFFFFF0]  }
0x5b: {  	v11 =	vsub.s32 v7, v0;
	v10 =	vmin.u32 v10, $0x20  }
0x5c: {  	s26 =	simm.s32 $0x0;
	s28 =	simm.s32 $0x13AC0;
	v9 =	vsub.s32 v9, v0;
	v7 =	vmul.u32 $0x2710, v10;
	[tilespmem:s25+$0xFFFFFFC0] =	vst v8;
	v8 =	vmin.u32 v11, $0x20  }
.LBB2_6:
0x5d: {  	v10 =	vld [tilespmem:s28+$0xFFFFFFC0];
	[tilespmem:s25+$0xFFFFFFD0] =	vst v6;
	v6 =	vmul.u32 $0x2710, v8;
	v8 =	vmin.u32 v9, $0x20;
	v3 =	vsub.s32 v3, v0  }
0x5e: {  	v9 =	vld [tilespmem:s28+$0xFFFFFFD0];
	[tilespmem:s25+$0xFFFFFFE0] =	vst v7;
	v7 =	vmul.u32 $0x2710, v8;
	v3 =	vmin.u32 v3, $0x20;
	v4 =	vsub.s32 v4, v0  }
0x5f: {  	v8 =	vld [tilespmem:s28+$0xFFFFFFE0];
	v5 =	vsub.s32 v5, v0;
	[tilespmem:s25+$0x0] =	vst v6;
	v3 =	vmul.u32 $0x2710, v3;
	v4 =	vmin.u32 v4, $0x20  }
0x60: {  	s26 =	sadd.s32 $0x8, s26;
	v11 =	vld [tilespmem:s28+$0x0];
	v5 =	vmin.u32 v5, $0x20;
	[tilespmem:s25+$0x10] =	vst v7;
	v4 =	vmul.u32 $0x2710, v4  }
0x61: {  	p1 =	slt.u32 s26, $0x268;
	v12 =	vld [tilespmem:s28+$0x10];
	v5 =	vmul.u32 $0x2710, v5;
	[tilespmem:s25+$0x20] =	vst v3  }
.Ltmp2:
0x62: {  	v6 =	vsub.s32 v10, v0;
	v3 =	vld [tilespmem:s28+$0x20];
	[tilespmem:s25+$0x30] =	vst v4;
	(pc) =	sbr.rel @p1 .LBB2_6-.Ltmp2, $4  }
0x63: {  	v6 =	vmin.u32 v6, $0x20;
	v7 =	vsub.s32 v9, v0;
	v4 =	vld [tilespmem:s28+$0x30];
	[tilespmem:s25+$0xFFFFFFF0] =	vst v5;
	s25 =	smov.u32 s28  }
0x64: {  	v9 =	vmul.u32 $0x2710, v6;
	v6 =	vmin.u32 v7, $0x20;
	v7 =	vsub.s32 v8, v0;
	v5 =	vld [tilespmem:s28+$0xFFFFFFF0]  }
0x65: {  	v6 =	vmul.u32 $0x2710, v6;
	v7 =	vmin.u32 v7, $0x20;
	v8 =	vsub.s32 v11, v0  }
0x66: {  	s28 =	sadd.s32 $0x80, s28;
	[tilespmem:s25+$0xFFFFFFC0] =	vst v9;
	v7 =	vmul.u32 $0x2710, v7;
	v8 =	vmin.u32 v8, $0x20;
	v9 =	vsub.s32 v12, v0  }
0x67: {  	[tilespmem:s25+$0xFFFFFFD0] =	vst v6;
	v61 =	vmul.u32 $0x2710, v8;
	v62 =	vmin.u32 v9, $0x20;
	v3 =	vsub.s32 v3, v0  }
0x68: {  	[tilespmem:s25+$0xFFFFFFE0] =	vst v7;
	v63 =	vmul.u32 $0x2710, v62;
	v3 =	vmin.u32 v3, $0x20;
	v4 =	vsub.s32 v4, v0  }
0x69: {  	v5 =	vsub.s32 v5, v0;
	[tilespmem:s25+$0x0] =	vst v61;
	v3 =	vmul.u32 $0x2710, v3;
	v4 =	vmin.u32 v4, $0x20  }
0x6a: {  	v5 =	vmin.u32 v5, $0x20;
	[tilespmem:s25+$0x10] =	vst v63;
	v4 =	vmul.u32 $0x2710, v4  }
0x6b: {  	v5 =	vmul.u32 $0x2710, v5;
	[tilespmem:s25+$0x20] =	vst v3  }
0x6c: {  	[tilespmem:s25+$0x30] =	vst v4  }
0x6d: {  	[tilespmem:s25+$0xFFFFFFF0] =	vst v5  }
0x6e: {  	v3 =	vld [tilespmem:$0x16100];
	_ =	sdelay $0x4  }
0x6f: {  	v3 =	vsub.s32 v3, v0  }
0x70: {  	v3 =	vmin.u32 v3, $0x20  }
0x71: {  	v3 =	vmul.u32 $0x2710, v3;
	_ =	sdelay $0x1  }
0x72: {  	[tilespmem:$0x16100] =	vst v3  }
0x73: {  	_ =	swait.ge [sflag:s20], $0x4E20  }
0x74: {  	s26 =	simm.s32 $0x4EC0;
	s28 =	simm.s32 $0x40;
	[sflag:s20] =	ssyncset.done $0x0  }
0x75: {  	s29 =	simm.s32 $0x9D40;
	s25 =	simm.s32 $0xFFFFFFF8;
	[sflag:s20] =	ssyncadd.s32 $0xFFFFB1E0  }
.LBB2_8:
0x76: {  	v3 =	vld [tilespmem:s26+$0xFFFFFFC0];
	_ =	sdelay $0x6  }
0x77: {  	v4 =	vld [tilespmem:s28+$0xFFFFFFC0]  }
0x78: {  	v3 =	vld.idx.msk [tilespmem:v3+s13+$0x0], $0xffff;
	_ =	sdelay $0x4  }
0x79: {  	v3 =	vadd.s32 v3, v4  }
0x7a: {  	[tilespmem:s29+$0xFFFFFFC0] =	vst v3  }
0x7b: {  	v3 =	vld [tilespmem:s26+$0xFFFFFFD0];
	_ =	sdelay $0x6  }
0x7c: {  	v57 =	vld [tilespmem:s28+$0xFFFFFFD0]  }
0x7d: {  	v3 =	vld.idx.msk [tilespmem:v3+s13+$0x0], $0xffff;
	_ =	sdelay $0x4  }
0x7e: {  	v3 =	vadd.s32 v3, v57  }
0x7f: {  	[tilespmem:s29+$0xFFFFFFD0] =	vst v3  }
0x80: {  	v3 =	vld [tilespmem:s26+$0xFFFFFFE0];
	_ =	sdelay $0x6  }
0x81: {  	v58 =	vld [tilespmem:s28+$0xFFFFFFE0]  }
0x82: {  	v3 =	vld.idx.msk [tilespmem:v3+s13+$0x0], $0xffff;
	_ =	sdelay $0x4  }
0x83: {  	v3 =	vadd.s32 v3, v58  }
0x84: {  	[tilespmem:s29+$0xFFFFFFE0] =	vst v3  }
0x85: {  	v3 =	vld [tilespmem:s26+$0xFFFFFFF0];
	_ =	sdelay $0x6  }
0x86: {  	v59 =	vld [tilespmem:s28+$0xFFFFFFF0]  }
0x87: {  	v3 =	vld.idx.msk [tilespmem:v3+s13+$0x0], $0xffff;
	_ =	sdelay $0x4  }
0x88: {  	v3 =	vadd.s32 v3, v59  }
0x89: {  	[tilespmem:s29+$0xFFFFFFF0] =	vst v3  }
0x8a: {  	v3 =	vld [tilespmem:s26+$0x0];
	_ =	sdelay $0x6  }
0x8b: {  	v60 =	vld [tilespmem:s28+$0x0]  }
0x8c: {  	v3 =	vld.idx.msk [tilespmem:v3+s13+$0x0], $0xffff;
	_ =	sdelay $0x4  }
0x8d: {  	v3 =	vadd.s32 v3, v60  }
0x8e: {  	[tilespmem:s29+$0x0] =	vst v3  }
0x8f: {  	v3 =	vld [tilespmem:s26+$0x10];
	_ =	sdelay $0x6  }
0x90: {  	v61 =	vld [tilespmem:s28+$0x10]  }
0x91: {  	v3 =	vld.idx.msk [tilespmem:v3+s13+$0x0], $0xffff;
	_ =	sdelay $0x4  }
0x92: {  	v3 =	vadd.s32 v3, v61  }
0x93: {  	[tilespmem:s29+$0x10] =	vst v3  }
0x94: {  	v3 =	vld [tilespmem:s26+$0x20];
	_ =	sdelay $0x6  }
0x95: {  	v62 =	vld [tilespmem:s28+$0x20]  }
0x96: {  	v3 =	vld.idx.msk [tilespmem:v3+s13+$0x0], $0xffff;
	_ =	sdelay $0x4  }
0x97: {  	v3 =	vadd.s32 v3, v62  }
0x98: {  	[tilespmem:s29+$0x20] =	vst v3  }
0x99: {  	v3 =	vld [tilespmem:s26+$0x30];
	_ =	sdelay $0x6  }
0x9a: {  	v63 =	vld [tilespmem:s28+$0x30]  }
0x9b: {  	s25 =	sadd.s32 $0x8, s25;
	v3 =	vld.idx.msk [tilespmem:v3+s13+$0x0], $0xffff  }
0x9c: {  	p1 =	slt.u32 s25, $0x4D8  }
.Ltmp3:
0x9d: {  	_ = 	snop;
	(pc) =	sbr.rel @p1 .LBB2_8-.Ltmp3, $3  }
0x9e: {  	_ =	sdelay $0x1  }
0x9f: {  	v3 =	vadd.s32 v3, v63  }
0xa0: {  	s26 =	sadd.s32 $0x80, s26;
	s28 =	sadd.s32 $0x80, s28;
	[tilespmem:s29+$0x30] =	vst v3;
	s29 =	sadd.s32 $0x80, s29  }
0xa1: {  	v3 =	vld [tilespmem:$0x9C80];
	_ =	sdelay $0x5  }
0xa2: {  	v4 =	vld [tilespmem:$0x9C90]  }
0xa3: {  	v5 =	vld [tilespmem:$0x4E00]  }
0xa4: {  	v3 =	vld.idx.msk [tilespmem:v3+s13+$0x0], $0xffff;
	_ =	sdelay $0x4  }
0xa5: {  	v3 =	vadd.s32 v3, v5  }
0xa6: {  	[tilespmem:$0xEB00] =	vst v3  }
0xa7: {  	v3 =	vld.idx.msk [tilespmem:v4+s13+$0x0], $0xffff  }
0xa8: {  	v4 =	vld [tilespmem:$0x4E10];
	_ =	sdelay $0x4  }
0xa9: {  	v3 =	vadd.s32 v3, v4  }
0xaa: {  	[tilespmem:$0xEB10] =	vst v3  }
0xab: {  	_ =	swait.ge [sflag:s21], $0x4E20  }
0xac: {  	[sflag:s21] =	ssyncset.done $0x0  }
0xad: {  	[sflag:s21] =	ssyncadd.s32 $0xFFFFB1E0  }
0xae: {  	[bflag:$0x0] =	sbarrier.arrive $0xFFFF  }
0xaf: {  	[tilespmem:s14], [sflag:$0x6] =	stream.linear.gather [spmem:s3], $0x2780, $0x38;
	[tilespmem:$0x1DC10] =	vst v63  }
0xb0: {  	_ =	swait.ge [sflag:s22], $0x2780  }
0xb1: {  	[sflag:s22] =	ssyncset.done $0x0  }
0xb2: {  	s25 =	simm.s32 $0x161C0;
	[sflag:s22] =	ssyncadd.s32 $0xFFFFD880  }
0xb3: {  	v3 =	vld [tilespmem:s25+$0xFFFFFFC0]  }
0xb4: {  	v4 =	vld [tilespmem:s25+$0xFFFFFFD0];
	_ =	sdelay $0x1  }
0xb5: {  	v5 =	vld [tilespmem:s25+$0xFFFFFFE0]  }
0xb6: {  	v6 =	vld [tilespmem:s25+$0x0]  }
0xb7: {  	v7 =	vld [tilespmem:s25+$0x30];
	v3 =	vmax.f32 v3, $1.000000000e+00  }
0xb8: {  	v4 =	vmax.f32 v4, $1.000000000e+00;
	(erf) = vrcp.f32 v3;
	v3 =	vld [tilespmem:s25+$0x10]  }
0xb9: {  	(erf) = vrcp.f32 v4;
	v4 =	vld [tilespmem:s25+$0x20];
	_ =	sdelay $0x1  }
0xba: {  	v8 =	vld [tilespmem:s25+$0xFFFFFFF0];
	v5 =	vmax.f32 v5, $1.000000000e+00  }
0xbb: {  	v6 =	vmax.f32 v6, $1.000000000e+00;
	(erf) = vrcp.f32 v5  }
0xbc: {  	(erf) = vrcp.f32 v6;
	v3 =	vmax.f32 v3, $1.000000000e+00  }
0xbd: {  	v4 =	vmax.f32 v4, $1.000000000e+00;
	(erf) = vrcp.f32 v3;
	v3 =	vmax.f32 v7, $1.000000000e+00  }
0xbe: {  	(erf) = vrcp.f32 v4  }
0xbf: {  	v4 =	vmax.f32 v8, $1.000000000e+00;
	(erf) = vrcp.f32 v3  }
0xc0: {  	v3 =	vpop (erf);
	(erf) = vrcp.f32 v4;
	_ =	sdelay $0x2  }
0xc1: {  	s26 =	simm.s32 $0x0;
	s28 =	simm.s32 $0x16240;
	[tilespmem:s25+$0xFFFFFFC0] =	vst v3;
	v3 =	vpop (erf)  }
.LBB2_10:
0xc2: {  	v4 =	vld [tilespmem:s28+$0xFFFFFFC0];
	[tilespmem:s25+$0xFFFFFFD0] =	vst v3;
	v3 =	vpop (erf)  }
0xc3: {  	v5 =	vld [tilespmem:s28+$0xFFFFFFD0];
	[tilespmem:s25+$0xFFFFFFE0] =	vst v3;
	v3 =	vpop (erf)  }
0xc4: {  	v6 =	vld [tilespmem:s28+$0xFFFFFFE0];
	[tilespmem:s25+$0x0] =	vst v3;
	v3 =	vpop (erf)  }
0xc5: {  	v7 =	vld [tilespmem:s28+$0x0];
	[tilespmem:s25+$0x10] =	vst v3;
	v3 =	vpop (erf)  }
0xc6: {  	v8 =	vld [tilespmem:s28+$0x10];
	[tilespmem:s25+$0x20] =	vst v3;
	v3 =	vpop (erf)  }
0xc7: {  	v4 =	vmax.f32 v4, $1.000000000e+00;
	v9 =	vld [tilespmem:s28+$0x20];
	[tilespmem:s25+$0x30] =	vst v3;
	v3 =	vpop (erf)  }
0xc8: {  	s26 =	sadd.s32 $0x8, s26;
	v5 =	vmax.f32 v5, $1.000000000e+00;
	v10 =	vld [tilespmem:s28+$0x30];
	(erf) = vrcp.f32 v4;
	[tilespmem:s25+$0xFFFFFFF0] =	vst v3;
	s25 =	smov.u32 s28  }
0xc9: {  	p1 =	slt.u32 s26, $0x268;
	v3 =	vmax.f32 v6, $1.000000000e+00;
	v4 =	vld [tilespmem:s28+$0xFFFFFFF0];
	(erf) = vrcp.f32 v5  }
0xca: {  	v5 =	vmax.f32 v7, $1.000000000e+00;
	(erf) = vrcp.f32 v3  }
0xcb: {  	v3 =	vmax.f32 v8, $1.000000000e+00;
	(erf) = vrcp.f32 v5  }
0xcc: {  	v5 =	vmax.f32 v9, $1.000000000e+00;
	(erf) = vrcp.f32 v3  }
0xcd: {  	v3 =	vmax.f32 v10, $1.000000000e+00;
	(erf) = vrcp.f32 v5  }
.Ltmp4:
0xce: {  	v4 =	vmax.f32 v4, $1.000000000e+00;
	(erf) = vrcp.f32 v3;
	(pc) =	sbr.rel @p1 .LBB2_10-.Ltmp4, $3  }
0xcf: {  	(erf) = vrcp.f32 v4;
	_ =	sdelay $0x1  }
0xd0: {  	v3 =	vpop (erf)  }
0xd1: {  	s28 =	sadd.s32 $0x80, s28;
	[tilespmem:s25+$0xFFFFFFC0] =	vst v3;
	v3 =	vpop (erf)  }
0xd2: {  	[tilespmem:s25+$0xFFFFFFD0] =	vst v3;
	v3 =	vpop (erf)  }
0xd3: {  	[tilespmem:s25+$0xFFFFFFE0] =	vst v3;
	v3 =	vpop (erf)  }
0xd4: {  	[tilespmem:s25+$0x0] =	vst v3;
	v3 =	vpop (erf)  }
0xd5: {  	[tilespmem:s25+$0x10] =	vst v3;
	v3 =	vpop (erf)  }
0xd6: {  	[tilespmem:s25+$0x20] =	vst v3;
	v3 =	vpop (erf)  }
0xd7: {  	[tilespmem:s25+$0x30] =	vst v3;
	v3 =	vpop (erf)  }
0xd8: {  	[tilespmem:s25+$0xFFFFFFF0] =	vst v3  }
0xd9: {  	v3 =	vld [tilespmem:$0x18880];
	_ =	sdelay $0x4  }
0xda: {  	v3 =	vmax.f32 v3, $1.000000000e+00  }
0xdb: {  	(erf) = vrcp.f32 v3;
	_ =	sdelay $0x8  }
0xdc: {  	v3 =	vpop (erf)  }
0xdd: {  	s26 =	simm.s32 $0x4EA0;
	s28 =	simm.s32 $0xEBA0;
	s25 =	simm.s32 $0xFFFFFFFB;
	[tilespmem:$0x18880] =	vst v3  }
.LBB2_12:
0xde: {  	v3 =	vld [tilespmem:s26+$0xFFFFFFE0];
	_ =	sdelay $0x7  }
0xdf: {  	v3 =	vld.idx.msk [tilespmem:v3+s14+$0x0], $0xffff;
	_ =	sdelay $0x4  }
0xe0: {  	[tilespmem:s28+$0xFFFFFFE0] =	vst v3  }
0xe1: {  	v3 =	vld [tilespmem:s26+$0xFFFFFFF0];
	_ =	sdelay $0x7  }
0xe2: {  	v3 =	vld.idx.msk [tilespmem:v3+s14+$0x0], $0xffff;
	_ =	sdelay $0x4  }
0xe3: {  	[tilespmem:s28+$0xFFFFFFF0] =	vst v3  }
0xe4: {  	v3 =	vld [tilespmem:s26+$0x0];
	_ =	sdelay $0x7  }
0xe5: {  	v3 =	vld.idx.msk [tilespmem:v3+s14+$0x0], $0xffff;
	_ =	sdelay $0x4  }
0xe6: {  	[tilespmem:s28+$0x0] =	vst v3  }
0xe7: {  	v3 =	vld [tilespmem:s26+$0x10];
	_ =	sdelay $0x7  }
0xe8: {  	v3 =	vld.idx.msk [tilespmem:v3+s14+$0x0], $0xffff;
	_ =	sdelay $0x4  }
0xe9: {  	[tilespmem:s28+$0x10] =	vst v3  }
0xea: {  	v3 =	vld [tilespmem:s26+$0x20];
	_ =	sdelay $0x6  }
0xeb: {  	s25 =	sadd.s32 $0x5, s25  }
0xec: {  	p1 =	slt.u32 s25, $0xF5;
	v3 =	vld.idx.msk [tilespmem:v3+s14+$0x0], $0xffff  }
.Ltmp5:
0xed: {  	_ = 	snop;
	(pc) =	sbr.rel @p1 .LBB2_12-.Ltmp5, $2  }
0xee: {  	_ =	sdelay $0x2  }
0xef: {  	s26 =	sadd.s32 $0x50, s26;
	[tilespmem:s28+$0x20] =	vst v3;
	s28 =	sadd.s32 $0x50, s28  }
0xf0: {  	s25 =	simm.s32 $0x9D00  }
0xf1: {  	[spmem:s2] =	stream.indirect.scatter.add.f32 [tilespmem:s18], [sflag:$0x4], $0x1, s25, s23, $0xb8;
	[tilespmem:$0x1DC10] =	vst v63  }
0xf2: {  	s26 =	simm.s32 $0x5E60;
	s28 =	simm.s32 $0xFB60;
	s25 =	simm.s32 $0xF5  }
.LBB2_14:
0xf3: {  	v3 =	vld [tilespmem:s26+$0xFFFFFFC0];
	_ =	sdelay $0x7  }
0xf4: {  	v3 =	vld.idx.msk [tilespmem:v3+s14+$0x0], $0xffff;
	_ =	sdelay $0x4  }
0xf5: {  	[tilespmem:s28+$0xFFFFFFC0] =	vst v3  }
0xf6: {  	v3 =	vld [tilespmem:s26+$0xFFFFFFD0];
	_ =	sdelay $0x7  }
0xf7: {  	v3 =	vld.idx.msk [tilespmem:v3+s14+$0x0], $0xffff;
	_ =	sdelay $0x4  }
0xf8: {  	[tilespmem:s28+$0xFFFFFFD0] =	vst v3  }
0xf9: {  	v3 =	vld [tilespmem:s26+$0xFFFFFFE0];
	_ =	sdelay $0x7  }
0xfa: {  	v3 =	vld.idx.msk [tilespmem:v3+s14+$0x0], $0xffff;
	_ =	sdelay $0x4  }
0xfb: {  	[tilespmem:s28+$0xFFFFFFE0] =	vst v3  }
0xfc: {  	v3 =	vld [tilespmem:s26+$0xFFFFFFF0];
	_ =	sdelay $0x7  }
0xfd: {  	v3 =	vld.idx.msk [tilespmem:v3+s14+$0x0], $0xffff;
	_ =	sdelay $0x4  }
0xfe: {  	[tilespmem:s28+$0xFFFFFFF0] =	vst v3  }
0xff: {  	v3 =	vld [tilespmem:s26+$0x0];
	_ =	sdelay $0x6  }
0x100: {  	s25 =	sadd.s32 $0x5, s25  }
0x101: {  	p1 =	slt.u32 s25, $0x1EF;
	v3 =	vld.idx.msk [tilespmem:v3+s14+$0x0], $0xffff  }
.Ltmp6:
0x102: {  	_ = 	snop;
	(pc) =	sbr.rel @p1 .LBB2_14-.Ltmp6, $2  }
0x103: {  	_ =	sdelay $0x2  }
0x104: {  	s26 =	sadd.s32 $0x50, s26;
	[tilespmem:s28+$0x0] =	vst v3;
	s28 =	sadd.s32 $0x50, s28  }
0x105: {  	s25 =	simm.s32 $0xACA0;
	s26 =	simm.s32 $0xFB20  }
0x106: {  	[spmem:s2] =	stream.indirect.scatter.add.f32 [tilespmem:s26], [sflag:$0x4], $0x1, s25, s23, $0xb8;
	[tilespmem:$0x1DC10] =	vst v63  }
0x107: {  	s28 =	simm.s32 $0x10B00;
	s25 =	simm.s32 $0x1EF;
	s26 =	simm.s32 $0x6E00  }
.LBB2_16:
0x108: {  	v3 =	vld [tilespmem:s26+$0xFFFFFFC0];
	_ =	sdelay $0x7  }
0x109: {  	v3 =	vld.idx.msk [tilespmem:v3+s14+$0x0], $0xffff;
	_ =	sdelay $0x4  }
0x10a: {  	[tilespmem:s28+$0xFFFFFFC0] =	vst v3  }
0x10b: {  	v3 =	vld [tilespmem:s26+$0xFFFFFFD0];
	_ =	sdelay $0x7  }
0x10c: {  	v3 =	vld.idx.msk [tilespmem:v3+s14+$0x0], $0xffff;
	_ =	sdelay $0x4  }
0x10d: {  	[tilespmem:s28+$0xFFFFFFD0] =	vst v3  }
0x10e: {  	v3 =	vld [tilespmem:s26+$0xFFFFFFE0];
	_ =	sdelay $0x7  }
0x10f: {  	v3 =	vld.idx.msk [tilespmem:v3+s14+$0x0], $0xffff;
	_ =	sdelay $0x4  }
0x110: {  	[tilespmem:s28+$0xFFFFFFE0] =	vst v3  }
0x111: {  	v3 =	vld [tilespmem:s26+$0xFFFFFFF0];
	_ =	sdelay $0x7  }
0x112: {  	v3 =	vld.idx.msk [tilespmem:v3+s14+$0x0], $0xffff;
	_ =	sdelay $0x4  }
0x113: {  	[tilespmem:s28+$0xFFFFFFF0] =	vst v3  }
0x114: {  	v3 =	vld [tilespmem:s26+$0x0];
	_ =	sdelay $0x6  }
0x115: {  	s25 =	sadd.s32 $0x5, s25  }
0x116: {  	p1 =	slt.u32 s25, $0x2E9;
	v3 =	vld.idx.msk [tilespmem:v3+s14+$0x0], $0xffff  }
.Ltmp7:
0x117: {  	_ = 	snop;
	(pc) =	sbr.rel @p1 .LBB2_16-.Ltmp7, $2  }
0x118: {  	_ =	sdelay $0x2  }
0x119: {  	s26 =	sadd.s32 $0x50, s26;
	[tilespmem:s28+$0x0] =	vst v3;
	s28 =	sadd.s32 $0x50, s28  }
0x11a: {  	s25 =	simm.s32 $0xBC40;
	s26 =	simm.s32 $0x10AC0  }
0x11b: {  	[spmem:s2] =	stream.indirect.scatter.add.f32 [tilespmem:s26], [sflag:$0x4], $0x1, s25, s23, $0xb8;
	[tilespmem:$0x1DC10] =	vst v63  }
0x11c: {  	s28 =	simm.s32 $0x11AA0;
	s25 =	simm.s32 $0x2E9;
	s26 =	simm.s32 $0x7DA0  }
.LBB2_18:
0x11d: {  	v3 =	vld [tilespmem:s26+$0xFFFFFFC0];
	_ =	sdelay $0x7  }
0x11e: {  	v3 =	vld.idx.msk [tilespmem:v3+s14+$0x0], $0xffff;
	_ =	sdelay $0x4  }
0x11f: {  	[tilespmem:s28+$0xFFFFFFC0] =	vst v3  }
0x120: {  	v3 =	vld [tilespmem:s26+$0xFFFFFFD0];
	_ =	sdelay $0x7  }
0x121: {  	v3 =	vld.idx.msk [tilespmem:v3+s14+$0x0], $0xffff;
	_ =	sdelay $0x4  }
0x122: {  	[tilespmem:s28+$0xFFFFFFD0] =	vst v3  }
0x123: {  	v3 =	vld [tilespmem:s26+$0xFFFFFFE0];
	_ =	sdelay $0x7  }
0x124: {  	v3 =	vld.idx.msk [tilespmem:v3+s14+$0x0], $0xffff;
	_ =	sdelay $0x4  }
0x125: {  	[tilespmem:s28+$0xFFFFFFE0] =	vst v3  }
0x126: {  	v3 =	vld [tilespmem:s26+$0xFFFFFFF0];
	_ =	sdelay $0x7  }
0x127: {  	v3 =	vld.idx.msk [tilespmem:v3+s14+$0x0], $0xffff;
	_ =	sdelay $0x4  }
0x128: {  	[tilespmem:s28+$0xFFFFFFF0] =	vst v3  }
0x129: {  	v3 =	vld [tilespmem:s26+$0x0];
	_ =	sdelay $0x6  }
0x12a: {  	s25 =	sadd.s32 $0x5, s25  }
0x12b: {  	p1 =	slt.u32 s25, $0x3E3;
	v3 =	vld.idx.msk [tilespmem:v3+s14+$0x0], $0xffff  }
.Ltmp8:
0x12c: {  	_ = 	snop;
	(pc) =	sbr.rel @p1 .LBB2_18-.Ltmp8, $2  }
0x12d: {  	_ =	sdelay $0x2  }
0x12e: {  	s26 =	sadd.s32 $0x50, s26;
	[tilespmem:s28+$0x0] =	vst v3;
	s28 =	sadd.s32 $0x50, s28  }
0x12f: {  	[spmem:s2] =	stream.indirect.scatter.add.f32 [tilespmem:s31], [sflag:$0x4], $0x1, s30, s23, $0xb8;
	[tilespmem:$0x1DC10] =	vst v63  }
0x130: {  	s25 =	simm.s32 $0x3E3;
	s26 =	simm.s32 $0x8D40;
	s28 =	simm.s32 $0x12A40  }
.LBB2_20:
0x131: {  	v3 =	vld [tilespmem:s26+$0xFFFFFFC0];
	_ =	sdelay $0x7  }
0x132: {  	v3 =	vld.idx.msk [tilespmem:v3+s14+$0x0], $0xffff;
	_ =	sdelay $0x4  }
0x133: {  	[tilespmem:s28+$0xFFFFFFC0] =	vst v3  }
0x134: {  	v3 =	vld [tilespmem:s26+$0xFFFFFFD0];
	_ =	sdelay $0x7  }
0x135: {  	v3 =	vld.idx.msk [tilespmem:v3+s14+$0x0], $0xffff;
	_ =	sdelay $0x4  }
0x136: {  	[tilespmem:s28+$0xFFFFFFD0] =	vst v3  }
0x137: {  	v3 =	vld [tilespmem:s26+$0xFFFFFFE0];
	_ =	sdelay $0x7  }
0x138: {  	v3 =	vld.idx.msk [tilespmem:v3+s14+$0x0], $0xffff;
	_ =	sdelay $0x4  }
0x139: {  	[tilespmem:s28+$0xFFFFFFE0] =	vst v3  }
0x13a: {  	v3 =	vld [tilespmem:s26+$0xFFFFFFF0];
	_ =	sdelay $0x7  }
0x13b: {  	v3 =	vld.idx.msk [tilespmem:v3+s14+$0x0], $0xffff;
	_ =	sdelay $0x4  }
0x13c: {  	[tilespmem:s28+$0xFFFFFFF0] =	vst v3  }
0x13d: {  	v3 =	vld [tilespmem:s26+$0x0];
	_ =	sdelay $0x6  }
0x13e: {  	s25 =	sadd.s32 $0x5, s25  }
0x13f: {  	p1 =	slt.u32 s25, $0x4DD;
	v3 =	vld.idx.msk [tilespmem:v3+s14+$0x0], $0xffff  }
.Ltmp9:
0x140: {  	_ = 	snop;
	(pc) =	sbr.rel @p1 .LBB2_20-.Ltmp9, $2  }
0x141: {  	_ =	sdelay $0x2  }
0x142: {  	s26 =	sadd.s32 $0x50, s26;
	[tilespmem:s28+$0x0] =	vst v3;
	s28 =	sadd.s32 $0x50, s28  }
0x143: {  	[spmem:s2] =	stream.indirect.scatter.add.f32 [tilespmem:s1], [sflag:$0x4], $0x1, s0, s23, $0xb8;
	[tilespmem:$0x1DC10] =	vst v63  }
0x144: {  	_ =	swait.ge [sflag:s21], $0xFA0  }
0x145: {  	[sflag:s21] =	ssyncset.done $0x0  }
0x146: {  	[sflag:s21] =	ssyncadd.s32 $0xFFFFF060  }
0x147: {  	_ =	swait.ge [sflag:s21], $0xFA0  }
0x148: {  	[sflag:s21] =	ssyncset.done $0x0  }
0x149: {  	[sflag:s21] =	ssyncadd.s32 $0xFFFFF060  }
0x14a: {  	_ =	swait.ge [sflag:s21], $0xFA0  }
0x14b: {  	[sflag:s21] =	ssyncset.done $0x0  }
0x14c: {  	[sflag:s21] =	ssyncadd.s32 $0xFFFFF060  }
0x14d: {  	_ =	swait.ge [sflag:s21], $0xFA0  }
0x14e: {  	[sflag:s21] =	ssyncset.done $0x0  }
0x14f: {  	[sflag:s21] =	ssyncadd.s32 $0xFFFFF060  }
0x150: {  	_ =	swait.ge [sflag:s21], $0xFA0  }
0x151: {  	[sflag:s21] =	ssyncset.done $0x0  }
0x152: {  	[sflag:s21] =	ssyncadd.s32 $0xFFFFF060  }
0x153: {  	[bflag:$0x0] =	sbarrier.arrive $0xFFFF  }
0x154: {  	[tilespmem:s18], [sflag:$0x6] =	stream.linear.gather [spmem:s6], $0x2710, $0x38;
	[tilespmem:$0x1DC10] =	vst v63  }
0x155: {  	_ =	swait.ge [sflag:s22], $0x2710  }
0x156: {  	[sflag:s22] =	ssyncset.done $0x0  }
0x157: {  	[sflag:s22] =	ssyncadd.s32 $0xFFFFD8F0  }
0x158: {  	[hbm4b:s9+s4] =	stream.linear.scatter [tilespmem:s18], [sflag:$0x1], $0x2710, $0x38;
	[tilespmem:$0x1DC10] =	vst v63  }
0x159: {  	_ = 	snop  }
0x15a: {  	[tilespmem:s17], [sflag:$0x6] =	stream.linear.gather [spmem:s8], $0x2710, $0x38;
	[tilespmem:$0x1DC10] =	vst v63  }
0x15b: {  	_ =	swait.ge [sflag:s22], $0x2710  }
0x15c: {  	[sflag:s22] =	ssyncset.done $0x0  }
0x15d: {  	s24 =	sadd.s32 $0x1, s24;
	[sflag:s22] =	ssyncadd.s32 $0xFFFFD8F0  }
0x15e: {  	[hbm4b:s10+s4] =	stream.linear.scatter [tilespmem:s17], [sflag:$0x2], $0x2710, $0x38;
	[tilespmem:$0x1DC10] =	vst v63  }
0x15f: {  	p1 =	sne.s32 s24, s11;
	_ =	swait.ge [sflag:s20], $0x2710  }
.Ltmp10:
0x160: {  	[sflag:s20] =	ssyncset.done $0x0;
	(pc) =	sbr.rel @p1 .LBB2_1-.Ltmp10, $4  }
0x161: {  	[sflag:s20] =	ssyncadd.s32 $0xFFFFD8F0  }
0x162: {  	_ =	swait.ge [sflag:s16], $0x2710  }
0x163: {  	[sflag:s16] =	ssyncset.done $0x0  }
0x164: {  	[sflag:s16] =	ssyncadd.s32 $0xFFFFD8F0  }
0x165: {  	_ =	sfence.sel $0x180000  }
0x166: {  	[bflag:$0x0] =	sbarrier.arrive $0xFFFF  }
0x167: {  	_ =	strace $0x90000047  }
0x168: {  	[bflag:$0x2] =	sbarrier.arrive $0xFFFF  }
0x169: {  	s0 =	rddreg [dreg:$0x6]  }
0x16a: {  	s0 =	sadd.s32 @!p0 $0x100000, s0  }
0x16b: {  	[sflag:s0] =	ssyncadd.tile.s32 @!p0 $0x1;
	_ =	shalt  }
.Lfunc_end2:
_tile_overlayer_lowered:
.L_overlay_start_2:
0x16c: {  	(tag) =	ssettag $0x2  }
0x16d: {  	s0 =	rddreg [dreg:$0x0];
	s2 =	stileid.u32  }
0x16e: {  	s1 =	rddreg [dreg:$0x1];
	p0 =	sne.s32 s2, $0x0  }
0x16f: {  	s3 =	rddreg [dreg:$0x2];
	[bflag:$0x3] =	sbarrier.arrive $0xFFFF;
	s2 =	simm.s32 @!p0 $0x1C06  }
0x170: {  	[timem:s3], [sflag:s2] =	dma.local @!p0 [hbm:s0], s1  }
0x171: {  	s0 =	simm.s32 @!p0 $0x6  }
0x172: {  	_ =	swait.ge @!p0 [sflag:s0], s1  }
0x173: {  	s1 =	ssub.s32 @!p0 $0x0, s1;
	[sflag:s0] =	ssyncset.done @!p0 $0x0  }
0x174: {  	[sflag:s0] =	ssyncadd.s32 @!p0 s1  }
0x175: {  	[bflag:$0x3] =	sbarrier.arrive $0xFFFF  }
0x176: {  	_ =	shalt  }

</sc_bundles>
